<compile_context>
chip_gen: v7x
topology: tpu7x:2x2x1
jax: 0.10.2.dev20260603
libtpu: 0.0.44.dev20260713+nightly
codegen_flags: <defaults>
</compile_context>

<pallas_src>
import functools

import jax
import jax.numpy as jnp
from jax import lax
from jax.experimental import pallas as pl
from jax.experimental.pallas import tpu as pltpu
from jax.experimental.pallas import tpu_sc as plsc

G = 65536
S = 1024
K = 8
B = 64
C = 128
NC = G // C
M = 10

SB1 = 128
RB = 16

SB4 = 128

_F32_INF = float("inf")
_I32_BIG = 2**31 - 1


def _k12_body(sx_ref, sy_ref, gx_ref, gy_ref, ci_ref):
    sx = sx_ref[...]
    sy = sy_ref[...]

    def step(r, m):
        gxb = gx_ref[pl.ds(r * RB, RB), :]
        gyb = gy_ref[pl.ds(r * RB, RB), :]
        for u in range(RB):
            dx = sx - gxb[u:u + 1, :]
            dy = sy - gyb[u:u + 1, :]
            m = jnp.minimum(m, dx * dx + dy * dy)
        return m

    v = lax.fori_loop(0, C // RB, step,
                      jnp.full((SB1, NC), _F32_INF, jnp.float32))
    bits = lax.bitcast_convert_type(v, jnp.int32)
    iot = lax.broadcasted_iota(jnp.int32, (SB1, NC), 1)
    key = (bits & (-512)) | iot
    cols = []
    for _ in range(M):
        mk = jnp.min(key, axis=1, keepdims=True)
        cols.append(mk & 511)
        key = jnp.where(key == mk, _I32_BIG, key)
    ci_ref[...] = jnp.concatenate(cols, axis=1)


def _k4_body(sx_ref, sy_ref, cand_ref, ci_ref, idx_ref):
    sx = sx_ref[...]
    sy = sy_ref[...]
    ci = ci_ref[...]
    off = lax.broadcasted_iota(jnp.int32, (SB4, C), 1)
    d2s, gis = [], []
    for j in range(M):
        cx = cand_ref[:, j, :C]
        cy = cand_ref[:, j, C:]
        dx = sx - cx
        dy = sy - cy
        d2s.append(dx * dx + dy * dy)
        gis.append(ci[:, j:j + 1] + off * NC)
    d2 = jnp.concatenate(d2s, axis=1)
    gi = jnp.concatenate(gis, axis=1)
    cols = []
    for _ in range(K):
        m = jnp.min(d2, axis=1, keepdims=True)
        cand = jnp.where(d2 == m, gi, _I32_BIG)
        sel = jnp.min(cand, axis=1, keepdims=True)
        cols.append(sel)
        d2 = jnp.where(gi == sel, _F32_INF, d2)
    idx_ref[...] = jnp.concatenate(cols, axis=1)


def _sc_mesh():
    return plsc.VectorSubcoreMesh(core_axis_name="c", subcore_axis_name="s")


_NW = 32


def _gather_step(rpw):
    for d in range(128, 0, -8):
        if rpw % d == 0:
            return d
    raise ValueError(rpw)


def _k3_gather(ctab, ci_flat):
    n = ci_flat.shape[0]
    rpw = n // _NW
    gstep = _gather_step(rpw)

    @functools.partial(
        pl.kernel,
        mesh=_sc_mesh(),
        out_type=jax.ShapeDtypeStruct((n, 2 * C), jnp.float32),
        scratch_types=[
            pltpu.VMEM((rpw,), jnp.int32),
            pltpu.VMEM((rpw, 2 * C), jnp.float32),
            pltpu.SemaphoreType.DMA,
        ],
    )
    def k3(ctab_hbm, ci_hbm, out_hbm, idx_v, rows_v, sem):
        wid = lax.axis_index("s") * 2 + lax.axis_index("c")
        base = wid * rpw
        pltpu.sync_copy(ci_hbm.at[pl.ds(base, rpw)], idx_v)

        @pl.loop(0, rpw, step=gstep)
        def _(j):
            pltpu.async_copy(
                ctab_hbm.at[idx_v.at[pl.ds(j, gstep)]],
                rows_v.at[pl.ds(j, gstep)],
                sem,
            ).wait()

        pltpu.sync_copy(rows_v, out_hbm.at[pl.ds(base, rpw)])

    return k3(ctab, ci_flat)


def _k5_gather_combine(tab_t, idx_flat, wsplat, bsplat):
    n = idx_flat.shape[0]
    sh = n // K
    rpw = n // _NW
    gstep = _gather_step(rpw)

    @functools.partial(
        pl.kernel,
        mesh=_sc_mesh(),
        out_type=jax.ShapeDtypeStruct((sh, B), jnp.float32),
        scratch_types=[
            pltpu.VMEM((rpw,), jnp.int32),
            pltpu.VMEM((rpw, 128), jnp.float32),
            pltpu.VMEM((K, 16), jnp.float32),
            pltpu.VMEM((16,), jnp.float32),
            pltpu.VMEM((rpw // K, B), jnp.float32),
            pltpu.SemaphoreType.DMA,
        ],
    )
    def k5(tab_hbm, idx_hbm, w_hbm, b_hbm, out_hbm,
           idx_v, rows_v, w_v, b_v, out_v, sem):
        wid = lax.axis_index("s") * 2 + lax.axis_index("c")
        base = wid * rpw
        pltpu.sync_copy(idx_hbm.at[pl.ds(base, rpw)], idx_v)
        pltpu.sync_copy(w_hbm, w_v)
        pltpu.sync_copy(b_hbm, b_v)

        @pl.loop(0, rpw, step=gstep)
        def _(j):
            pltpu.async_copy(
                tab_hbm.at[idx_v.at[pl.ds(j, gstep)]],
                rows_v.at[pl.ds(j, gstep)],
                sem,
            ).wait()

        nst = rpw // K

        @pl.loop(0, nst)
        def _(t):
            for j in range(B // 16):
                acc = b_v[...]
                for k in range(K):
                    acc = acc + rows_v[t * K + k, pl.ds(j * 16, 16)] * w_v[k, pl.ds(0, 16)]
                out_v[t, pl.ds(j * 16, 16)] = acc

        pltpu.sync_copy(out_v, out_hbm.at[pl.ds(wid * nst, nst)])

    return k5(tab_t, idx_flat, wsplat, bsplat)


def kernel(input, grid_coords, station_coords, W, b):
    gx = grid_coords[:, 0].reshape(C, NC)
    gy = grid_coords[:, 1].reshape(C, NC)
    sx = station_coords[:, 0].reshape(S, 1)
    sy = station_coords[:, 1].reshape(S, 1)
    ctab = jnp.concatenate([gx.T, gy.T], axis=1)
    tab_t = jnp.pad(input.T, ((0, 0), (0, 128 - B)))
    wsplat = jnp.tile(W.reshape(K, 1), (1, 16)).astype(jnp.float32)
    bsplat = jnp.tile(b.reshape(1), (16,)).astype(jnp.float32)

    def k12_call(sxh, syh):
        sh = sxh.shape[0]
        return pl.pallas_call(
            _k12_body,
            grid=(sh // SB1,),
            in_specs=[
                pl.BlockSpec((SB1, 1), lambda i: (i, 0)),
                pl.BlockSpec((SB1, 1), lambda i: (i, 0)),
                pl.BlockSpec((C, NC), lambda i: (0, 0)),
                pl.BlockSpec((C, NC), lambda i: (0, 0)),
            ],
            out_specs=pl.BlockSpec((SB1, M), lambda i: (i, 0)),
            out_shape=jax.ShapeDtypeStruct((sh, M), jnp.int32),
        )(sxh, syh, gx, gy)

    def k4_call(sxh, syh, candh, cih):
        sh = sxh.shape[0]
        return pl.pallas_call(
            _k4_body,
            grid=(sh // SB4,),
            in_specs=[
                pl.BlockSpec((SB4, 1), lambda i: (i, 0)),
                pl.BlockSpec((SB4, 1), lambda i: (i, 0)),
                pl.BlockSpec((SB4, M, 2 * C), lambda i: (i, 0, 0)),
                pl.BlockSpec((SB4, M), lambda i: (i, 0)),
            ],
            out_specs=pl.BlockSpec((SB4, K), lambda i: (i, 0)),
            out_shape=jax.ShapeDtypeStruct((sh, K), jnp.int32),
        )(sxh, syh, candh, cih)

    ci = k12_call(sx, sy)
    cand = _k3_gather(ctab, ci.reshape(S * M))
    idx = k4_call(sx, sy, cand.reshape(S, M, 2 * C), ci)
    osb = _k5_gather_combine(tab_t, idx.reshape(S * K), wsplat, bsplat)

    return osb.T.reshape(B, S, 1)

# --- scband reference (transcript-rebuilt; emitter-appended) ---
"""Pipeline reference for scband-linear-downscaling-37726992728660 (READ-ONLY COPY).

The authoritative reference and input builder live on the scoring server;
editing this copy changes nothing except your own understanding.
"""

import jax, jax.numpy as jnp
import numpy as np

G = 65536  # 256x256 WRF grid flattened
S = 1024   # number of stations
K = 8      # n_neighbours
B = 64     # batch of timesteps

def setup_inputs(seed: int = 0) -> dict:
    key = jax.random.key(seed)
    k1, k2, k3, k4 = jax.random.split(key, 4)
    # grid field values per timestep (forward arg)
    x = jax.random.normal(k1, (B, G), dtype=jnp.float32)
    # metadata buffers: grid coords and station coords in [0,1)^2
    grid_coords = jax.random.uniform(k2, (G, 2), dtype=jnp.float32)
    station_coords = jax.random.uniform(k3, (S, 2), dtype=jnp.float32)
    # nn.Linear(K, 1) params
    W = jax.random.normal(k4, (K, 1), dtype=jnp.float32) * (1.0 / np.sqrt(K))
    b = jnp.zeros((1,), dtype=jnp.float32)
    return {"input": x, "grid_coords": grid_coords, "station_coords": station_coords, "W": W, "b": b}

def reference(input, grid_coords, station_coords, W, b):
    # Interpolator: for each station, find K nearest WRF grid points (kNN retrieval)
    d2 = jnp.sum((station_coords[:, None, :] - grid_coords[None, :, :]) ** 2, axis=-1)  # [S, G]
    _, idx = jax.lax.top_k(-d2, K)  # [S, K] nearest-neighbour grid indices
    # gather the K neighbouring grid values for every station and timestep
    gathered = jnp.take(input, idx, axis=1)  # [B, S, K]
    # Linear(K -> 1): learned interpolation weights
    out = gathered @ W + b  # [B, S, 1]
    return out

if __name__ == "__main__":
    import jax
    _d = setup_inputs()
    print(jax.jit(kernel)(*tuple(_d.values())))

</pallas_src>

<mosaic_0001>
#map = affine_map<(d0, d1) -> (0, 0)>
#map1 = affine_map<(d0, d1) -> (0)>
module attributes {stable_mosaic.version = 14 : i64} {
  func.func @k3(%arg0: i32, %arg1: i32, %arg2: memref<512x256xf32, #tpu.memory_space<hbm>>, %arg3: memref<10240xi32, #tpu.memory_space<hbm>>, %arg4: memref<10240x256xf32, #tpu.memory_space<hbm>>, %arg5: memref<320xi32, #tpu.memory_space<vmem>>, %arg6: memref<320x256xf32, #tpu.memory_space<vmem>>, %arg7: memref<!tpu.dma_semaphore, #tpu.memory_space<semaphore_mem>>) attributes {dimension_semantics = [#tpu.dimension_semantics<core_parallel>, #tpu.dimension_semantics<subcore_parallel>], iteration_bounds = array<i64: 2, 16>, scalar_prefetch = 0 : i64, scratch_operands = 3 : i64, tpu.core_type = #tpu.core_type<sc_vector_subcore>, window_params = [{transform_indices = #map}, {transform_indices = #map1}, {transform_indices = #map}]} {
    %mul3A = arith.constant 2 : i32
    %mul3A_0 = arith.muli %arg1, %mul3A : i32
    %add3A = arith.addi %mul3A_0, %arg0 : i32
    %mul3A_1 = arith.constant 320 : i32
    %mul3A_2 = arith.muli %add3A, %mul3A_1 : i32
    "tpu.region"() ({
      %run_scoped3A = tpu.sem_alloc : memref<!tpu.dma_semaphore, #tpu.memory_space<semaphore_mem>>
      %dma_start3A = tpu.memref_slice %arg3[%mul3A_2] : memref<10240xi32, #tpu.memory_space<hbm>> -> memref<320xi32, #tpu.memory_space<hbm>>
      %dma_start3A_7 = tpu.memref_slice %arg3[%mul3A_2] : memref<10240xi32, #tpu.memory_space<hbm>> -> memref<320xi32, #tpu.memory_space<hbm>>
      tpu.enqueue_dma source(%dma_start3A_7 : memref<320xi32, #tpu.memory_space<hbm>>) target(%arg5 : memref<320xi32, #tpu.memory_space<vmem>>) target_semaphore(%run_scoped3A : memref<!tpu.dma_semaphore, #tpu.memory_space<semaphore_mem>>)
      %dma_wait3A = tpu.memref_slice %arg3[%mul3A_2] : memref<10240xi32, #tpu.memory_space<hbm>> -> memref<320xi32, #tpu.memory_space<hbm>>
      %dma_wait3A_8 = tpu.memref_slice %arg3[%mul3A_2] : memref<10240xi32, #tpu.memory_space<hbm>> -> memref<320xi32, #tpu.memory_space<hbm>>
      tpu.wait_dma2 semaphore(%run_scoped3A : memref<!tpu.dma_semaphore, #tpu.memory_space<semaphore_mem>>) src(%dma_wait3A_8 : memref<320xi32, #tpu.memory_space<hbm>>) dst(%arg5 : memref<320xi32, #tpu.memory_space<vmem>>)
      tpu.yield
    }) : () -> ()
    %scan3A = arith.constant 0 : i32
    %scan3A_3 = arith.constant 4 : i32
    %scan3A_4 = arith.addi %scan3A, %scan3A_3 : i32
    %scan3A_5 = arith.constant 1 : i32
    scf.for %scan3A_7 = %scan3A to %scan3A_4 step %scan3A_5  : i32 {
      %mul3A_8 = arith.constant 80 : i32
      %mul3A_9 = arith.muli %scan3A_7, %mul3A_8 : i32
      %add3A_10 = arith.constant 0 : i32
      %add3A_11 = arith.addi %add3A_10, %mul3A_9 : i32
      %dma_start3A = arith.constant 0 : i32
      %dma_start3A_12 = tpu.memref_slice %arg6[%add3A_11, %dma_start3A] : memref<320x256xf32, #tpu.memory_space<vmem>> -> memref<80x256xf32, #tpu.memory_space<vmem>>
      %dma_start3A_13 = tpu.memref_slice %arg5[%add3A_11] : memref<320xi32, #tpu.memory_space<vmem>> -> memref<80xi32, #tpu.memory_space<vmem>>
      %dma_start3A_14 = arith.constant 0 : i32
      %dma_start3A_15 = arith.constant 0 : i32
      %dma_start3A_16 = tpu.memref_slice %arg2[%dma_start3A_14, %dma_start3A_15] : memref<512x256xf32, #tpu.memory_space<hbm>> -> memref<512x256xf32, #tpu.memory_space<hbm>>
      tpu.enqueue_indirect_dma source(%dma_start3A_16 : memref<512x256xf32, #tpu.memory_space<hbm>>) target(%dma_start3A_12 : memref<80x256xf32, #tpu.memory_space<vmem>>) offsets(%dma_start3A_13 : memref<80xi32, #tpu.memory_space<vmem>>) semaphore(%arg7 : memref<!tpu.dma_semaphore, #tpu.memory_space<semaphore_mem>>)
      %dma_wait3A = arith.constant 0 : i32
      %dma_wait3A_17 = tpu.memref_slice %arg6[%add3A_11, %dma_wait3A] : memref<320x256xf32, #tpu.memory_space<vmem>> -> memref<80x256xf32, #tpu.memory_space<vmem>>
      %dma_wait3A_18 = tpu.memref_slice %arg5[%add3A_11] : memref<320xi32, #tpu.memory_space<vmem>> -> memref<80xi32, #tpu.memory_space<vmem>>
      %dma_wait3A_19 = arith.constant 0 : i32
      %dma_wait3A_20 = arith.constant 0 : i32
      %dma_wait3A_21 = tpu.memref_slice %arg2[%dma_wait3A_19, %dma_wait3A_20] : memref<512x256xf32, #tpu.memory_space<hbm>> -> memref<512x256xf32, #tpu.memory_space<hbm>>
      tpu.wait_indirect_dma semaphore(%arg7 : memref<!tpu.dma_semaphore, #tpu.memory_space<semaphore_mem>>) src(%dma_wait3A_21 : memref<512x256xf32, #tpu.memory_space<hbm>>) dst(%dma_wait3A_17 : memref<80x256xf32, #tpu.memory_space<vmem>>)
    }
    %scan3A_6 = arith.constant 4 : i32
    "tpu.region"() ({
      %run_scoped3A = tpu.sem_alloc : memref<!tpu.dma_semaphore, #tpu.memory_space<semaphore_mem>>
      %dma_start3A = arith.constant 0 : i32
      %dma_start3A_7 = tpu.memref_slice %arg4[%mul3A_2, %dma_start3A] : memref<10240x256xf32, #tpu.memory_space<hbm>> -> memref<320x256xf32, #tpu.memory_space<hbm>>
      %dma_start3A_8 = arith.constant 0 : i32
      %dma_start3A_9 = tpu.memref_slice %arg4[%mul3A_2, %dma_start3A_8] : memref<10240x256xf32, #tpu.memory_space<hbm>> -> memref<320x256xf32, #tpu.memory_space<hbm>>
      tpu.enqueue_dma source(%arg6 : memref<320x256xf32, #tpu.memory_space<vmem>>) target(%dma_start3A_9 : memref<320x256xf32, #tpu.memory_space<hbm>>) target_semaphore(%run_scoped3A : memref<!tpu.dma_semaphore, #tpu.memory_space<semaphore_mem>>)
      %dma_wait3A = arith.constant 0 : i32
      %dma_wait3A_10 = tpu.memref_slice %arg4[%mul3A_2, %dma_wait3A] : memref<10240x256xf32, #tpu.memory_space<hbm>> -> memref<320x256xf32, #tpu.memory_space<hbm>>
      %dma_wait3A_11 = arith.constant 0 : i32
      %dma_wait3A_12 = tpu.memref_slice %arg4[%mul3A_2, %dma_wait3A_11] : memref<10240x256xf32, #tpu.memory_space<hbm>> -> memref<320x256xf32, #tpu.memory_space<hbm>>
      tpu.wait_dma2 semaphore(%run_scoped3A : memref<!tpu.dma_semaphore, #tpu.memory_space<semaphore_mem>>) src(%arg6 : memref<320x256xf32, #tpu.memory_space<vmem>>) dst(%dma_wait3A_12 : memref<320x256xf32, #tpu.memory_space<hbm>>)
      tpu.yield
    }) : () -> ()
    return
  }
}

#map = affine_map<(d0, d1) -> (0, 0)>
#map1 = affine_map<(d0, d1) -> (0)>
module attributes {stable_mosaic.version = 14 : i64} {
  func.func @k5(%arg0: i32, %arg1: i32, %arg2: memref<65536x128xf32, #tpu.memory_space<hbm>>, %arg3: memref<8192xi32, #tpu.memory_space<hbm>>, %arg4: memref<8x16xf32, #tpu.memory_space<hbm>>, %arg5: memref<16xf32, #tpu.memory_space<hbm>>, %arg6: memref<1024x64xf32, #tpu.memory_space<hbm>>, %arg7: memref<256xi32, #tpu.memory_space<vmem>>, %arg8: memref<256x128xf32, #tpu.memory_space<vmem>>, %arg9: memref<8x16xf32, #tpu.memory_space<vmem>>, %arg10: memref<16xf32, #tpu.memory_space<vmem>>, %arg11: memref<32x64xf32, #tpu.memory_space<vmem>>, %arg12: memref<!tpu.dma_semaphore, #tpu.memory_space<semaphore_mem>>) attributes {dimension_semantics = [#tpu.dimension_semantics<core_parallel>, #tpu.dimension_semantics<subcore_parallel>], iteration_bounds = array<i64: 2, 16>, scalar_prefetch = 0 : i64, scratch_operands = 6 : i64, tpu.core_type = #tpu.core_type<sc_vector_subcore>, window_params = [{transform_indices = #map}, {transform_indices = #map1}, {transform_indices = #map}, {transform_indices = #map1}, {transform_indices = #map}]} {
    %mul3A = arith.constant 2 : i32
    %mul3A_0 = arith.muli %arg1, %mul3A : i32
    %add3A = arith.addi %mul3A_0, %arg0 : i32
    %mul3A_1 = arith.constant 256 : i32
    %mul3A_2 = arith.muli %add3A, %mul3A_1 : i32
    "tpu.region"() ({
      %run_scoped3A = tpu.sem_alloc : memref<!tpu.dma_semaphore, #tpu.memory_space<semaphore_mem>>
      %dma_start3A = tpu.memref_slice %arg3[%mul3A_2] : memref<8192xi32, #tpu.memory_space<hbm>> -> memref<256xi32, #tpu.memory_space<hbm>>
      %dma_start3A_14 = tpu.memref_slice %arg3[%mul3A_2] : memref<8192xi32, #tpu.memory_space<hbm>> -> memref<256xi32, #tpu.memory_space<hbm>>
      tpu.enqueue_dma source(%dma_start3A_14 : memref<256xi32, #tpu.memory_space<hbm>>) target(%arg7 : memref<256xi32, #tpu.memory_space<vmem>>) target_semaphore(%run_scoped3A : memref<!tpu.dma_semaphore, #tpu.memory_space<semaphore_mem>>)
      %dma_wait3A = tpu.memref_slice %arg3[%mul3A_2] : memref<8192xi32, #tpu.memory_space<hbm>> -> memref<256xi32, #tpu.memory_space<hbm>>
      %dma_wait3A_15 = tpu.memref_slice %arg3[%mul3A_2] : memref<8192xi32, #tpu.memory_space<hbm>> -> memref<256xi32, #tpu.memory_space<hbm>>
      tpu.wait_dma2 semaphore(%run_scoped3A : memref<!tpu.dma_semaphore, #tpu.memory_space<semaphore_mem>>) src(%dma_wait3A_15 : memref<256xi32, #tpu.memory_space<hbm>>) dst(%arg7 : memref<256xi32, #tpu.memory_space<vmem>>)
      tpu.yield
    }) : () -> ()
    "tpu.region"() ({
      %run_scoped3A = tpu.sem_alloc : memref<!tpu.dma_semaphore, #tpu.memory_space<semaphore_mem>>
      tpu.enqueue_dma source(%arg4 : memref<8x16xf32, #tpu.memory_space<hbm>>) target(%arg9 : memref<8x16xf32, #tpu.memory_space<vmem>>) target_semaphore(%run_scoped3A : memref<!tpu.dma_semaphore, #tpu.memory_space<semaphore_mem>>)
      tpu.wait_dma2 semaphore(%run_scoped3A : memref<!tpu.dma_semaphore, #tpu.memory_space<semaphore_mem>>) src(%arg4 : memref<8x16xf32, #tpu.memory_space<hbm>>) dst(%arg9 : memref<8x16xf32, #tpu.memory_space<vmem>>)
      tpu.yield
    }) : () -> ()
    "tpu.region"() ({
      %run_scoped3A = tpu.sem_alloc : memref<!tpu.dma_semaphore, #tpu.memory_space<semaphore_mem>>
      tpu.enqueue_dma source(%arg5 : memref<16xf32, #tpu.memory_space<hbm>>) target(%arg10 : memref<16xf32, #tpu.memory_space<vmem>>) target_semaphore(%run_scoped3A : memref<!tpu.dma_semaphore, #tpu.memory_space<semaphore_mem>>)
      tpu.wait_dma2 semaphore(%run_scoped3A : memref<!tpu.dma_semaphore, #tpu.memory_space<semaphore_mem>>) src(%arg5 : memref<16xf32, #tpu.memory_space<hbm>>) dst(%arg10 : memref<16xf32, #tpu.memory_space<vmem>>)
      tpu.yield
    }) : () -> ()
    %scan3A = arith.constant 0 : i32
    %scan3A_3 = arith.constant 2 : i32
    %scan3A_4 = arith.addi %scan3A, %scan3A_3 : i32
    %scan3A_5 = arith.constant 1 : i32
    scf.for %scan3A_14 = %scan3A to %scan3A_4 step %scan3A_5  : i32 {
      %mul3A_15 = arith.constant 128 : i32
      %mul3A_16 = arith.muli %scan3A_14, %mul3A_15 : i32
      %add3A_17 = arith.constant 0 : i32
      %add3A_18 = arith.addi %add3A_17, %mul3A_16 : i32
      %dma_start3A = arith.constant 0 : i32
      %dma_start3A_19 = tpu.memref_slice %arg8[%add3A_18, %dma_start3A] : memref<256x128xf32, #tpu.memory_space<vmem>> -> memref<128x128xf32, #tpu.memory_space<vmem>>
      %dma_start3A_20 = tpu.memref_slice %arg7[%add3A_18] : memref<256xi32, #tpu.memory_space<vmem>> -> memref<128xi32, #tpu.memory_space<vmem>>
      %dma_start3A_21 = arith.constant 0 : i32
      %dma_start3A_22 = arith.constant 0 : i32
      %dma_start3A_23 = tpu.memref_slice %arg2[%dma_start3A_21, %dma_start3A_22] : memref<65536x128xf32, #tpu.memory_space<hbm>> -> memref<65536x128xf32, #tpu.memory_space<hbm>>
      tpu.enqueue_indirect_dma source(%dma_start3A_23 : memref<65536x128xf32, #tpu.memory_space<hbm>>) target(%dma_start3A_19 : memref<128x128xf32, #tpu.memory_space<vmem>>) offsets(%dma_start3A_20 : memref<128xi32, #tpu.memory_space<vmem>>) semaphore(%arg12 : memref<!tpu.dma_semaphore, #tpu.memory_space<semaphore_mem>>)
      %dma_wait3A = arith.constant 0 : i32
      %dma_wait3A_24 = tpu.memref_slice %arg8[%add3A_18, %dma_wait3A] : memref<256x128xf32, #tpu.memory_space<vmem>> -> memref<128x128xf32, #tpu.memory_space<vmem>>
      %dma_wait3A_25 = tpu.memref_slice %arg7[%add3A_18] : memref<256xi32, #tpu.memory_space<vmem>> -> memref<128xi32, #tpu.memory_space<vmem>>
      %dma_wait3A_26 = arith.constant 0 : i32
      %dma_wait3A_27 = arith.constant 0 : i32
      %dma_wait3A_28 = tpu.memref_slice %arg2[%dma_wait3A_26, %dma_wait3A_27] : memref<65536x128xf32, #tpu.memory_space<hbm>> -> memref<65536x128xf32, #tpu.memory_space<hbm>>
      tpu.wait_indirect_dma semaphore(%arg12 : memref<!tpu.dma_semaphore, #tpu.memory_space<semaphore_mem>>) src(%dma_wait3A_28 : memref<65536x128xf32, #tpu.memory_space<hbm>>) dst(%dma_wait3A_24 : memref<128x128xf32, #tpu.memory_space<vmem>>)
    }
    %scan3A_6 = arith.constant 2 : i32
    %scan3A_7 = arith.constant 0 : i32
    %scan3A_8 = arith.constant 32 : i32
    %scan3A_9 = arith.addi %scan3A_7, %scan3A_8 : i32
    %scan3A_10 = arith.constant 1 : i32
    scf.for %scan3A_14 = %scan3A_7 to %scan3A_9 step %scan3A_10  : i32 {
      %mul3A_15 = arith.constant 1 : i32
      %mul3A_16 = arith.muli %scan3A_14, %mul3A_15 : i32
      %add3A_17 = arith.constant 0 : i32
      %add3A_18 = arith.addi %add3A_17, %mul3A_16 : i32
      %get3A = arith.constant 0 : index
      %get3A_19 = tpu.vector_load %arg10[%get3A] {strides = array<i32>} : memref<16xf32, #tpu.memory_space<vmem>>, vector<16xf32>,
      %get3A_20 = vector.shape_cast %get3A_19 : vector<16xf32> to vector<16xf32>
      %mul3A_21 = arith.constant 8 : i32
      %mul3A_22 = arith.muli %add3A_18, %mul3A_21 : i32
      %add3A_23 = arith.constant 0 : i32
      %add3A_24 = arith.addi %mul3A_22, %add3A_23 : i32
      %get3A_25 = arith.index_cast %add3A_24 : i32 to index
      %get3A_26 = arith.constant 0 : index
      %get3A_27 = tpu.vector_load %arg8[%get3A_25, %get3A_26] {strides = array<i32>} : memref<256x128xf32, #tpu.memory_space<vmem>>, vector<1x16xf32>,
      %get3A_28 = vector.shape_cast %get3A_27 : vector<1x16xf32> to vector<16xf32>
      %get3A_29 = arith.constant 0 : i32
      %get3A_30 = arith.index_cast %get3A_29 : i32 to index
      %get3A_31 = arith.constant 0 : index
      %get3A_32 = tpu.vector_load %arg9[%get3A_30, %get3A_31] {strides = array<i32>} : memref<8x16xf32, #tpu.memory_space<vmem>>, vector<1x16xf32>,
      %get3A_33 = vector.shape_cast %get3A_32 : vector<1x16xf32> to vector<16xf32>
      %mul3A_34 = arith.mulf %get3A_28, %get3A_33 : vector<16xf32>
      %add3A_35 = arith.addf %get3A_20, %mul3A_34 : vector<16xf32>
      %mul3A_36 = arith.constant 8 : i32
      %mul3A_37 = arith.muli %add3A_18, %mul3A_36 : i32
      %add3A_38 = arith.constant 1 : i32
      %add3A_39 = arith.addi %mul3A_37, %add3A_38 : i32
      %get3A_40 = arith.index_cast %add3A_39 : i32 to index
      %get3A_41 = arith.constant 0 : index
      %get3A_42 = tpu.vector_load %arg8[%get3A_40, %get3A_41] {strides = array<i32>} : memref<256x128xf32, #tpu.memory_space<vmem>>, vector<1x16xf32>,
      %get3A_43 = vector.shape_cast %get3A_42 : vector<1x16xf32> to vector<16xf32>
      %get3A_44 = arith.constant 1 : i32
      %get3A_45 = arith.index_cast %get3A_44 : i32 to index
      %get3A_46 = arith.constant 0 : index
      %get3A_47 = tpu.vector_load %arg9[%get3A_45, %get3A_46] {strides = array<i32>} : memref<8x16xf32, #tpu.memory_space<vmem>>, vector<1x16xf32>,
      %get3A_48 = vector.shape_cast %get3A_47 : vector<1x16xf32> to vector<16xf32>
      %mul3A_49 = arith.mulf %get3A_43, %get3A_48 : vector<16xf32>
      %add3A_50 = arith.addf %add3A_35, %mul3A_49 : vector<16xf32>
      %mul3A_51 = arith.constant 8 : i32
      %mul3A_52 = arith.muli %add3A_18, %mul3A_51 : i32
      %add3A_53 = arith.constant 2 : i32
      %add3A_54 = arith.addi %mul3A_52, %add3A_53 : i32
      %get3A_55 = arith.index_cast %add3A_54 : i32 to index
      %get3A_56 = arith.constant 0 : index
      %get3A_57 = tpu.vector_load %arg8[%get3A_55, %get3A_56] {strides = array<i32>} : memref<256x128xf32, #tpu.memory_space<vmem>>, vector<1x16xf32>,
      %get3A_58 = vector.shape_cast %get3A_57 : vector<1x16xf32> to vector<16xf32>
      %get3A_59 = arith.constant 2 : i32
      %get3A_60 = arith.index_cast %get3A_59 : i32 to index
      %get3A_61 = arith.constant 0 : index
      %get3A_62 = tpu.vector_load %arg9[%get3A_60, %get3A_61] {strides = array<i32>} : memref<8x16xf32, #tpu.memory_space<vmem>>, vector<1x16xf32>,
      %get3A_63 = vector.shape_cast %get3A_62 : vector<1x16xf32> to vector<16xf32>
      %mul3A_64 = arith.mulf %get3A_58, %get3A_63 : vector<16xf32>
      %add3A_65 = arith.addf %add3A_50, %mul3A_64 : vector<16xf32>
      %mul3A_66 = arith.constant 8 : i32
      %mul3A_67 = arith.muli %add3A_18, %mul3A_66 : i32
      %add3A_68 = arith.constant 3 : i32
      %add3A_69 = arith.addi %mul3A_67, %add3A_68 : i32
      %get3A_70 = arith.index_cast %add3A_69 : i32 to index
      %get3A_71 = arith.constant 0 : index
      %get3A_72 = tpu.vector_load %arg8[%get3A_70, %get3A_71] {strides = array<i32>} : memref<256x128xf32, #tpu.memory_space<vmem>>, vector<1x16xf32>,
      %get3A_73 = vector.shape_cast %get3A_72 : vector<1x16xf32> to vector<16xf32>
      %get3A_74 = arith.constant 3 : i32
      %get3A_75 = arith.index_cast %get3A_74 : i32 to index
      %get3A_76 = arith.constant 0 : index
      %get3A_77 = tpu.vector_load %arg9[%get3A_75, %get3A_76] {strides = array<i32>} : memref<8x16xf32, #tpu.memory_space<vmem>>, vector<1x16xf32>,
      %get3A_78 = vector.shape_cast %get3A_77 : vector<1x16xf32> to vector<16xf32>
      %mul3A_79 = arith.mulf %get3A_73, %get3A_78 : vector<16xf32>
      %add3A_80 = arith.addf %add3A_65, %mul3A_79 : vector<16xf32>
      %mul3A_81 = arith.constant 8 : i32
      %mul3A_82 = arith.muli %add3A_18, %mul3A_81 : i32
      %add3A_83 = arith.constant 4 : i32
      %add3A_84 = arith.addi %mul3A_82, %add3A_83 : i32
      %get3A_85 = arith.index_cast %add3A_84 : i32 to index
      %get3A_86 = arith.constant 0 : index
      %get3A_87 = tpu.vector_load %arg8[%get3A_85, %get3A_86] {strides = array<i32>} : memref<256x128xf32, #tpu.memory_space<vmem>>, vector<1x16xf32>,
      %get3A_88 = vector.shape_cast %get3A_87 : vector<1x16xf32> to vector<16xf32>
      %get3A_89 = arith.constant 4 : i32
      %get3A_90 = arith.index_cast %get3A_89 : i32 to index
      %get3A_91 = arith.constant 0 : index
      %get3A_92 = tpu.vector_load %arg9[%get3A_90, %get3A_91] {strides = array<i32>} : memref<8x16xf32, #tpu.memory_space<vmem>>, vector<1x16xf32>,
      %get3A_93 = vector.shape_cast %get3A_92 : vector<1x16xf32> to vector<16xf32>
      %mul3A_94 = arith.mulf %get3A_88, %get3A_93 : vector<16xf32>
      %add3A_95 = arith.addf %add3A_80, %mul3A_94 : vector<16xf32>
      %mul3A_96 = arith.constant 8 : i32
      %mul3A_97 = arith.muli %add3A_18, %mul3A_96 : i32
      %add3A_98 = arith.constant 5 : i32
      %add3A_99 = arith.addi %mul3A_97, %add3A_98 : i32
      %get3A_100 = arith.index_cast %add3A_99 : i32 to index
      %get3A_101 = arith.constant 0 : index
      %get3A_102 = tpu.vector_load %arg8[%get3A_100, %get3A_101] {strides = array<i32>} : memref<256x128xf32, #tpu.memory_space<vmem>>, vector<1x16xf32>,
      %get3A_103 = vector.shape_cast %get3A_102 : vector<1x16xf32> to vector<16xf32>
      %get3A_104 = arith.constant 5 : i32
      %get3A_105 = arith.index_cast %get3A_104 : i32 to index
      %get3A_106 = arith.constant 0 : index
      %get3A_107 = tpu.vector_load %arg9[%get3A_105, %get3A_106] {strides = array<i32>} : memref<8x16xf32, #tpu.memory_space<vmem>>, vector<1x16xf32>,
      %get3A_108 = vector.shape_cast %get3A_107 : vector<1x16xf32> to vector<16xf32>
      %mul3A_109 = arith.mulf %get3A_103, %get3A_108 : vector<16xf32>
      %add3A_110 = arith.addf %add3A_95, %mul3A_109 : vector<16xf32>
      %mul3A_111 = arith.constant 8 : i32
      %mul3A_112 = arith.muli %add3A_18, %mul3A_111 : i32
      %add3A_113 = arith.constant 6 : i32
      %add3A_114 = arith.addi %mul3A_112, %add3A_113 : i32
      %get3A_115 = arith.index_cast %add3A_114 : i32 to index
      %get3A_116 = arith.constant 0 : index
      %get3A_117 = tpu.vector_load %arg8[%get3A_115, %get3A_116] {strides = array<i32>} : memref<256x128xf32, #tpu.memory_space<vmem>>, vector<1x16xf32>,
      %get3A_118 = vector.shape_cast %get3A_117 : vector<1x16xf32> to vector<16xf32>
      %get3A_119 = arith.constant 6 : i32
      %get3A_120 = arith.index_cast %get3A_119 : i32 to index
      %get3A_121 = arith.constant 0 : index
      %get3A_122 = tpu.vector_load %arg9[%get3A_120, %get3A_121] {strides = array<i32>} : memref<8x16xf32, #tpu.memory_space<vmem>>, vector<1x16xf32>,
      %get3A_123 = vector.shape_cast %get3A_122 : vector<1x16xf32> to vector<16xf32>
      %mul3A_124 = arith.mulf %get3A_118, %get3A_123 : vector<16xf32>
      %add3A_125 = arith.addf %add3A_110, %mul3A_124 : vector<16xf32>
      %mul3A_126 = arith.constant 8 : i32
      %mul3A_127 = arith.muli %add3A_18, %mul3A_126 : i32
      %add3A_128 = arith.constant 7 : i32
      %add3A_129 = arith.addi %mul3A_127, %add3A_128 : i32
      %get3A_130 = arith.index_cast %add3A_129 : i32 to index
      %get3A_131 = arith.constant 0 : index
      %get3A_132 = tpu.vector_load %arg8[%get3A_130, %get3A_131] {strides = array<i32>} : memref<256x128xf32, #tpu.memory_space<vmem>>, vector<1x16xf32>,
      %get3A_133 = vector.shape_cast %get3A_132 : vector<1x16xf32> to vector<16xf32>
      %get3A_134 = arith.constant 7 : i32
      %get3A_135 = arith.index_cast %get3A_134 : i32 to index
      %get3A_136 = arith.constant 0 : index
      %get3A_137 = tpu.vector_load %arg9[%get3A_135, %get3A_136] {strides = array<i32>} : memref<8x16xf32, #tpu.memory_space<vmem>>, vector<1x16xf32>,
      %get3A_138 = vector.shape_cast %get3A_137 : vector<1x16xf32> to vector<16xf32>
      %mul3A_139 = arith.mulf %get3A_133, %get3A_138 : vector<16xf32>
      %add3A_140 = arith.addf %add3A_125, %mul3A_139 : vector<16xf32>
      %swap3A = arith.index_cast %add3A_18 : i32 to index
      %swap3A_141 = arith.constant 0 : index
      %swap3A_142 = tpu.vector_load %arg11[%swap3A, %swap3A_141] {strides = array<i32>} : memref<32x64xf32, #tpu.memory_space<vmem>>, vector<1x16xf32>,
      %swap3A_143 = vector.shape_cast %swap3A_142 : vector<1x16xf32> to vector<16xf32>
      %swap3A_144 = vector.shape_cast %add3A_140 : vector<16xf32> to vector<1x16xf32>
      tpu.vector_store %arg11[%swap3A, %swap3A_141], %swap3A_144 {strides = array<i32>} : memref<32x64xf32, #tpu.memory_space<vmem>>, vector<1x16xf32>,
      %get3A_145 = arith.constant 0 : index
      %get3A_146 = tpu.vector_load %arg10[%get3A_145] {strides = array<i32>} : memref<16xf32, #tpu.memory_space<vmem>>, vector<16xf32>,
      %get3A_147 = vector.shape_cast %get3A_146 : vector<16xf32> to vector<16xf32>
      %mul3A_148 = arith.constant 8 : i32
      %mul3A_149 = arith.muli %add3A_18, %mul3A_148 : i32
      %add3A_150 = arith.constant 0 : i32
      %add3A_151 = arith.addi %mul3A_149, %add3A_150 : i32
      %get3A_152 = arith.index_cast %add3A_151 : i32 to index
      %get3A_153 = arith.constant 16 : index
      %get3A_154 = tpu.vector_load %arg8[%get3A_152, %get3A_153] {strides = array<i32>} : memref<256x128xf32, #tpu.memory_space<vmem>>, vector<1x16xf32>,
      %get3A_155 = vector.shape_cast %get3A_154 : vector<1x16xf32> to vector<16xf32>
      %get3A_156 = arith.constant 0 : i32
      %get3A_157 = arith.index_cast %get3A_156 : i32 to index
      %get3A_158 = arith.constant 0 : index
      %get3A_159 = tpu.vector_load %arg9[%get3A_157, %get3A_158] {strides = array<i32>} : memref<8x16xf32, #tpu.memory_space<vmem>>, vector<1x16xf32>,
      %get3A_160 = vector.shape_cast %get3A_159 : vector<1x16xf32> to vector<16xf32>
      %mul3A_161 = arith.mulf %get3A_155, %get3A_160 : vector<16xf32>
      %add3A_162 = arith.addf %get3A_147, %mul3A_161 : vector<16xf32>
      %mul3A_163 = arith.constant 8 : i32
      %mul3A_164 = arith.muli %add3A_18, %mul3A_163 : i32
      %add3A_165 = arith.constant 1 : i32
      %add3A_166 = arith.addi %mul3A_164, %add3A_165 : i32
      %get3A_167 = arith.index_cast %add3A_166 : i32 to index
      %get3A_168 = arith.constant 16 : index
      %get3A_169 = tpu.vector_load %arg8[%get3A_167, %get3A_168] {strides = array<i32>} : memref<256x128xf32, #tpu.memory_space<vmem>>, vector<1x16xf32>,
      %get3A_170 = vector.shape_cast %get3A_169 : vector<1x16xf32> to vector<16xf32>
      %get3A_171 = arith.constant 1 : i32
      %get3A_172 = arith.index_cast %get3A_171 : i32 to index
      %get3A_173 = arith.constant 0 : index
      %get3A_174 = tpu.vector_load %arg9[%get3A_172, %get3A_173] {strides = array<i32>} : memref<8x16xf32, #tpu.memory_space<vmem>>, vector<1x16xf32>,
      %get3A_175 = vector.shape_cast %get3A_174 : vector<1x16xf32> to vector<16xf32>
      %mul3A_176 = arith.mulf %get3A_170, %get3A_175 : vector<16xf32>
      %add3A_177 = arith.addf %add3A_162, %mul3A_176 : vector<16xf32>
      %mul3A_178 = arith.constant 8 : i32
      %mul3A_179 = arith.muli %add3A_18, %mul3A_178 : i32
      %add3A_180 = arith.constant 2 : i32
      %add3A_181 = arith.addi %mul3A_179, %add3A_180 : i32
      %get3A_182 = arith.index_cast %add3A_181 : i32 to index
      %get3A_183 = arith.constant 16 : index
      %get3A_184 = tpu.vector_load %arg8[%get3A_182, %get3A_183] {strides = array<i32>} : memref<256x128xf32, #tpu.memory_space<vmem>>, vector<1x16xf32>,
      %get3A_185 = vector.shape_cast %get3A_184 : vector<1x16xf32> to vector<16xf32>
      %get3A_186 = arith.constant 2 : i32
      %get3A_187 = arith.index_cast %get3A_186 : i32 to index
      %get3A_188 = arith.constant 0 : index
      %get3A_189 = tpu.vector_load %arg9[%get3A_187, %get3A_188] {strides = array<i32>} : memref<8x16xf32, #tpu.memory_space<vmem>>, vector<1x16xf32>,
      %get3A_190 = vector.shape_cast %get3A_189 : vector<1x16xf32> to vector<16xf32>
      %mul3A_191 = arith.mulf %get3A_185, %get3A_190 : vector<16xf32>
      %add3A_192 = arith.addf %add3A_177, %mul3A_191 : vector<16xf32>
      %mul3A_193 = arith.constant 8 : i32
      %mul3A_194 = arith.muli %add3A_18, %mul3A_193 : i32
      %add3A_195 = arith.constant 3 : i32
      %add3A_196 = arith.addi %mul3A_194, %add3A_195 : i32
      %get3A_197 = arith.index_cast %add3A_196 : i32 to index
      %get3A_198 = arith.constant 16 : index
      %get3A_199 = tpu.vector_load %arg8[%get3A_197, %get3A_198] {strides = array<i32>} : memref<256x128xf32, #tpu.memory_space<vmem>>, vector<1x16xf32>,
      %get3A_200 = vector.shape_cast %get3A_199 : vector<1x16xf32> to vector<16xf32>
      %get3A_201 = arith.constant 3 : i32
      %get3A_202 = arith.index_cast %get3A_201 : i32 to index
      %get3A_203 = arith.constant 0 : index
      %get3A_204 = tpu.vector_load %arg9[%get3A_202, %get3A_203] {strides = array<i32>} : memref<8x16xf32, #tpu.memory_space<vmem>>, vector<1x16xf32>,
      %get3A_205 = vector.shape_cast %get3A_204 : vector<1x16xf32> to vector<16xf32>
      %mul3A_206 = arith.mulf %get3A_200, %get3A_205 : vector<16xf32>
      %add3A_207 = arith.addf %add3A_192, %mul3A_206 : vector<16xf32>
      %mul3A_208 = arith.constant 8 : i32
      %mul3A_209 = arith.muli %add3A_18, %mul3A_208 : i32
      %add3A_210 = arith.constant 4 : i32
      %add3A_211 = arith.addi %mul3A_209, %add3A_210 : i32
      %get3A_212 = arith.index_cast %add3A_211 : i32 to index
      %get3A_213 = arith.constant 16 : index
      %get3A_214 = tpu.vector_load %arg8[%get3A_212, %get3A_213] {strides = array<i32>} : memref<256x128xf32, #tpu.memory_space<vmem>>, vector<1x16xf32>,
      %get3A_215 = vector.shape_cast %get3A_214 : vector<1x16xf32> to vector<16xf32>
      %get3A_216 = arith.constant 4 : i32
      %get3A_217 = arith.index_cast %get3A_216 : i32 to index
      %get3A_218 = arith.constant 0 : index
      %get3A_219 = tpu.vector_load %arg9[%get3A_217, %get3A_218] {strides = array<i32>} : memref<8x16xf32, #tpu.memory_space<vmem>>, vector<1x16xf32>,
      %get3A_220 = vector.shape_cast %get3A_219 : vector<1x16xf32> to vector<16xf32>
      %mul3A_221 = arith.mulf %get3A_215, %get3A_220 : vector<16xf32>
      %add3A_222 = arith.addf %add3A_207, %mul3A_221 : vector<16xf32>
      %mul3A_223 = arith.constant 8 : i32
      %mul3A_224 = arith.muli %add3A_18, %mul3A_223 : i32
      %add3A_225 = arith.constant 5 : i32
      %add3A_226 = arith.addi %mul3A_224, %add3A_225 : i32
      %get3A_227 = arith.index_cast %add3A_226 : i32 to index
      %get3A_228 = arith.constant 16 : index
      %get3A_229 = tpu.vector_load %arg8[%get3A_227, %get3A_228] {strides = array<i32>} : memref<256x128xf32, #tpu.memory_space<vmem>>, vector<1x16xf32>,
      %get3A_230 = vector.shape_cast %get3A_229 : vector<1x16xf32> to vector<16xf32>
      %get3A_231 = arith.constant 5 : i32
      %get3A_232 = arith.index_cast %get3A_231 : i32 to index
      %get3A_233 = arith.constant 0 : index
      %get3A_234 = tpu.vector_load %arg9[%get3A_232, %get3A_233] {strides = array<i32>} : memref<8x16xf32, #tpu.memory_space<vmem>>, vector<1x16xf32>,
      %get3A_235 = vector.shape_cast %get3A_234 : vector<1x16xf32> to vector<16xf32>
      %mul3A_236 = arith.mulf %get3A_230, %get3A_235 : vector<16xf32>
      %add3A_237 = arith.addf %add3A_222, %mul3A_236 : vector<16xf32>
      %mul3A_238 = arith.constant 8 : i32
      %mul3A_239 = arith.muli %add3A_18, %mul3A_238 : i32
      %add3A_240 = arith.constant 6 : i32
      %add3A_241 = arith.addi %mul3A_239, %add3A_240 : i32
      %get3A_242 = arith.index_cast %add3A_241 : i32 to index
      %get3A_243 = arith.constant 16 : index
      %get3A_244 = tpu.vector_load %arg8[%get3A_242, %get3A_243] {strides = array<i32>} : memref<256x128xf32, #tpu.memory_space<vmem>>, vector<1x16xf32>,
      %get3A_245 = vector.shape_cast %get3A_244 : vector<1x16xf32> to vector<16xf32>
      %get3A_246 = arith.constant 6 : i32
      %get3A_247 = arith.index_cast %get3A_246 : i32 to index
      %get3A_248 = arith.constant 0 : index
      %get3A_249 = tpu.vector_load %arg9[%get3A_247, %get3A_248] {strides = array<i32>} : memref<8x16xf32, #tpu.memory_space<vmem>>, vector<1x16xf32>,
      %get3A_250 = vector.shape_cast %get3A_249 : vector<1x16xf32> to vector<16xf32>
      %mul3A_251 = arith.mulf %get3A_245, %get3A_250 : vector<16xf32>
      %add3A_252 = arith.addf %add3A_237, %mul3A_251 : vector<16xf32>
      %mul3A_253 = arith.constant 8 : i32
      %mul3A_254 = arith.muli %add3A_18, %mul3A_253 : i32
      %add3A_255 = arith.constant 7 : i32
      %add3A_256 = arith.addi %mul3A_254, %add3A_255 : i32
      %get3A_257 = arith.index_cast %add3A_256 : i32 to index
      %get3A_258 = arith.constant 16 : index
      %get3A_259 = tpu.vector_load %arg8[%get3A_257, %get3A_258] {strides = array<i32>} : memref<256x128xf32, #tpu.memory_space<vmem>>, vector<1x16xf32>,
      %get3A_260 = vector.shape_cast %get3A_259 : vector<1x16xf32> to vector<16xf32>
      %get3A_261 = arith.constant 7 : i32
      %get3A_262 = arith.index_cast %get3A_261 : i32 to index
      %get3A_263 = arith.constant 0 : index
      %get3A_264 = tpu.vector_load %arg9[%get3A_262, %get3A_263] {strides = array<i32>} : memref<8x16xf32, #tpu.memory_space<vmem>>, vector<1x16xf32>,
      %get3A_265 = vector.shape_cast %get3A_264 : vector<1x16xf32> to vector<16xf32>
      %mul3A_266 = arith.mulf %get3A_260, %get3A_265 : vector<16xf32>
      %add3A_267 = arith.addf %add3A_252, %mul3A_266 : vector<16xf32>
      %swap3A_268 = arith.index_cast %add3A_18 : i32 to index
      %swap3A_269 = arith.constant 16 : index
      %swap3A_270 = tpu.vector_load %arg11[%swap3A_268, %swap3A_269] {strides = array<i32>} : memref<32x64xf32, #tpu.memory_space<vmem>>, vector<1x16xf32>,
      %swap3A_271 = vector.shape_cast %swap3A_270 : vector<1x16xf32> to vector<16xf32>
      %swap3A_272 = vector.shape_cast %add3A_267 : vector<16xf32> to vector<1x16xf32>
      tpu.vector_store %arg11[%swap3A_268, %swap3A_269], %swap3A_272 {strides = array<i32>} : memref<32x64xf32, #tpu.memory_space<vmem>>, vector<1x16xf32>,
      %get3A_273 = arith.constant 0 : index
      %get3A_274 = tpu.vector_load %arg10[%get3A_273] {strides = array<i32>} : memref<16xf32, #tpu.memory_space<vmem>>, vector<16xf32>,
      %get3A_275 = vector.shape_cast %get3A_274 : vector<16xf32> to vector<16xf32>
      %mul3A_276 = arith.constant 8 : i32
      %mul3A_277 = arith.muli %add3A_18, %mul3A_276 : i32
      %add3A_278 = arith.constant 0 : i32
      %add3A_279 = arith.addi %mul3A_277, %add3A_278 : i32
      %get3A_280 = arith.index_cast %add3A_279 : i32 to index
      %get3A_281 = arith.constant 32 : index
      %get3A_282 = tpu.vector_load %arg8[%get3A_280, %get3A_281] {strides = array<i32>} : memref<256x128xf32, #tpu.memory_space<vmem>>, vector<1x16xf32>,
      %get3A_283 = vector.shape_cast %get3A_282 : vector<1x16xf32> to vector<16xf32>
      %get3A_284 = arith.constant 0 : i32
      %get3A_285 = arith.index_cast %get3A_284 : i32 to index
      %get3A_286 = arith.constant 0 : index
      %get3A_287 = tpu.vector_load %arg9[%get3A_285, %get3A_286] {strides = array<i32>} : memref<8x16xf32, #tpu.memory_space<vmem>>, vector<1x16xf32>,
      %get3A_288 = vector.shape_cast %get3A_287 : vector<1x16xf32> to vector<16xf32>
      %mul3A_289 = arith.mulf %get3A_283, %get3A_288 : vector<16xf32>
      %add3A_290 = arith.addf %get3A_275, %mul3A_289 : vector<16xf32>
      %mul3A_291 = arith.constant 8 : i32
      %mul3A_292 = arith.muli %add3A_18, %mul3A_291 : i32
      %add3A_293 = arith.constant 1 : i32
      %add3A_294 = arith.addi %mul3A_292, %add3A_293 : i32
      %get3A_295 = arith.index_cast %add3A_294 : i32 to index
      %get3A_296 = arith.constant 32 : index
      %get3A_297 = tpu.vector_load %arg8[%get3A_295, %get3A_296] {strides = array<i32>} : memref<256x128xf32, #tpu.memory_space<vmem>>, vector<1x16xf32>,
      %get3A_298 = vector.shape_cast %get3A_297 : vector<1x16xf32> to vector<16xf32>
      %get3A_299 = arith.constant 1 : i32
      %get3A_300 = arith.index_cast %get3A_299 : i32 to index
      %get3A_301 = arith.constant 0 : index
      %get3A_302 = tpu.vector_load %arg9[%get3A_300, %get3A_301] {strides = array<i32>} : memref<8x16xf32, #tpu.memory_space<vmem>>, vector<1x16xf32>,
      %get3A_303 = vector.shape_cast %get3A_302 : vector<1x16xf32> to vector<16xf32>
      %mul3A_304 = arith.mulf %get3A_298, %get3A_303 : vector<16xf32>
      %add3A_305 = arith.addf %add3A_290, %mul3A_304 : vector<16xf32>
      %mul3A_306 = arith.constant 8 : i32
      %mul3A_307 = arith.muli %add3A_18, %mul3A_306 : i32
      %add3A_308 = arith.constant 2 : i32
      %add3A_309 = arith.addi %mul3A_307, %add3A_308 : i32
      %get3A_310 = arith.index_cast %add3A_309 : i32 to index
      %get3A_311 = arith.constant 32 : index
      %get3A_312 = tpu.vector_load %arg8[%get3A_310, %get3A_311] {strides = array<i32>} : memref<256x128xf32, #tpu.memory_space<vmem>>, vector<1x16xf32>,
      %get3A_313 = vector.shape_cast %get3A_312 : vector<1x16xf32> to vector<16xf32>
      %get3A_314 = arith.constant 2 : i32
      %get3A_315 = arith.index_cast %get3A_314 : i32 to index
      %get3A_316 = arith.constant 0 : index
      %get3A_317 = tpu.vector_load %arg9[%get3A_315, %get3A_316] {strides = array<i32>} : memref<8x16xf32, #tpu.memory_space<vmem>>, vector<1x16xf32>,
      %get3A_318 = vector.shape_cast %get3A_317 : vector<1x16xf32> to vector<16xf32>
      %mul3A_319 = arith.mulf %get3A_313, %get3A_318 : vector<16xf32>
      %add3A_320 = arith.addf %add3A_305, %mul3A_319 : vector<16xf32>
      %mul3A_321 = arith.constant 8 : i32
      %mul3A_322 = arith.muli %add3A_18, %mul3A_321 : i32
      %add3A_323 = arith.constant 3 : i32
      %add3A_324 = arith.addi %mul3A_322, %add3A_323 : i32
      %get3A_325 = arith.index_cast %add3A_324 : i32 to index
      %get3A_326 = arith.constant 32 : index
      %get3A_327 = tpu.vector_load %arg8[%get3A_325, %get3A_326] {strides = array<i32>} : memref<256x128xf32, #tpu.memory_space<vmem>>, vector<1x16xf32>,
      %get3A_328 = vector.shape_cast %get3A_327 : vector<1x16xf32> to vector<16xf32>
      %get3A_329 = arith.constant 3 : i32
      %get3A_330 = arith.index_cast %get3A_329 : i32 to index
      %get3A_331 = arith.constant 0 : index
      %get3A_332 = tpu.vector_load %arg9[%get3A_330, %get3A_331] {strides = array<i32>} : memref<8x16xf32, #tpu.memory_space<vmem>>, vector<1x16xf32>,
      %get3A_333 = vector.shape_cast %get3A_332 : vector<1x16xf32> to vector<16xf32>
      %mul3A_334 = arith.mulf %get3A_328, %get3A_333 : vector<16xf32>
      %add3A_335 = arith.addf %add3A_320, %mul3A_334 : vector<16xf32>
      %mul3A_336 = arith.constant 8 : i32
      %mul3A_337 = arith.muli %add3A_18, %mul3A_336 : i32
      %add3A_338 = arith.constant 4 : i32
      %add3A_339 = arith.addi %mul3A_337, %add3A_338 : i32
      %get3A_340 = arith.index_cast %add3A_339 : i32 to index
      %get3A_341 = arith.constant 32 : index
      %get3A_342 = tpu.vector_load %arg8[%get3A_340, %get3A_341] {strides = array<i32>} : memref<256x128xf32, #tpu.memory_space<vmem>>, vector<1x16xf32>,
      %get3A_343 = vector.shape_cast %get3A_342 : vector<1x16xf32> to vector<16xf32>
      %get3A_344 = arith.constant 4 : i32
      %get3A_345 = arith.index_cast %get3A_344 : i32 to index
      %get3A_346 = arith.constant 0 : index
      %get3A_347 = tpu.vector_load %arg9[%get3A_345, %get3A_346] {strides = array<i32>} : memref<8x16xf32, #tpu.memory_space<vmem>>, vector<1x16xf32>,
      %get3A_348 = vector.shape_cast %get3A_347 : vector<1x16xf32> to vector<16xf32>
      %mul3A_349 = arith.mulf %get3A_343, %get3A_348 : vector<16xf32>
      %add3A_350 = arith.addf %add3A_335, %mul3A_349 : vector<16xf32>
      %mul3A_351 = arith.constant 8 : i32
      %mul3A_352 = arith.muli %add3A_18, %mul3A_351 : i32
      %add3A_353 = arith.constant 5 : i32
      %add3A_354 = arith.addi %mul3A_352, %add3A_353 : i32
      %get3A_355 = arith.index_cast %add3A_354 : i32 to index
      %get3A_356 = arith.constant 32 : index
      %get3A_357 = tpu.vector_load %arg8[%get3A_355, %get3A_356] {strides = array<i32>} : memref<256x128xf32, #tpu.memory_space<vmem>>, vector<1x16xf32>,
      %get3A_358 = vector.shape_cast %get3A_357 : vector<1x16xf32> to vector<16xf32>
      %get3A_359 = arith.constant 5 : i32
      %get3A_360 = arith.index_cast %get3A_359 : i32 to index
      %get3A_361 = arith.constant 0 : index
      %get3A_362 = tpu.vector_load %arg9[%get3A_360, %get3A_361] {strides = array<i32>} : memref<8x16xf32, #tpu.memory_space<vmem>>, vector<1x16xf32>,
      %get3A_363 = vector.shape_cast %get3A_362 : vector<1x16xf32> to vector<16xf32>
      %mul3A_364 = arith.mulf %get3A_358, %get3A_363 : vector<16xf32>
      %add3A_365 = arith.addf %add3A_350, %mul3A_364 : vector<16xf32>
      %mul3A_366 = arith.constant 8 : i32
      %mul3A_367 = arith.muli %add3A_18, %mul3A_366 : i32
      %add3A_368 = arith.constant 6 : i32
      %add3A_369 = arith.addi %mul3A_367, %add3A_368 : i32
      %get3A_370 = arith.index_cast %add3A_369 : i32 to index
      %get3A_371 = arith.constant 32 : index
      %get3A_372 = tpu.vector_load %arg8[%get3A_370, %get3A_371] {strides = array<i32>} : memref<256x128xf32, #tpu.memory_space<vmem>>, vector<1x16xf32>,
      %get3A_373 = vector.shape_cast %get3A_372 : vector<1x16xf32> to vector<16xf32>
      %get3A_374 = arith.constant 6 : i32
      %get3A_375 = arith.index_cast %get3A_374 : i32 to index
      %get3A_376 = arith.constant 0 : index
      %get3A_377 = tpu.vector_load %arg9[%get3A_375, %get3A_376] {strides = array<i32>} : memref<8x16xf32, #tpu.memory_space<vmem>>, vector<1x16xf32>,
      %get3A_378 = vector.shape_cast %get3A_377 : vector<1x16xf32> to vector<16xf32>
      %mul3A_379 = arith.mulf %get3A_373, %get3A_378 : vector<16xf32>
      %add3A_380 = arith.addf %add3A_365, %mul3A_379 : vector<16xf32>
      %mul3A_381 = arith.constant 8 : i32
      %mul3A_382 = arith.muli %add3A_18, %mul3A_381 : i32
      %add3A_383 = arith.constant 7 : i32
      %add3A_384 = arith.addi %mul3A_382, %add3A_383 : i32
      %get3A_385 = arith.index_cast %add3A_384 : i32 to index
      %get3A_386 = arith.constant 32 : index
      %get3A_387 = tpu.vector_load %arg8[%get3A_385, %get3A_386] {strides = array<i32>} : memref<256x128xf32, #tpu.memory_space<vmem>>, vector<1x16xf32>,
      %get3A_388 = vector.shape_cast %get3A_387 : vector<1x16xf32> to vector<16xf32>
      %get3A_389 = arith.constant 7 : i32
      %get3A_390 = arith.index_cast %get3A_389 : i32 to index
      %get3A_391 = arith.constant 0 : index
      %get3A_392 = tpu.vector_load %arg9[%get3A_390, %get3A_391] {strides = array<i32>} : memref<8x16xf32, #tpu.memory_space<vmem>>, vector<1x16xf32>,
      %get3A_393 = vector.shape_cast %get3A_392 : vector<1x16xf32> to vector<16xf32>
      %mul3A_394 = arith.mulf %get3A_388, %get3A_393 : vector<16xf32>
      %add3A_395 = arith.addf %add3A_380, %mul3A_394 : vector<16xf32>
      %swap3A_396 = arith.index_cast %add3A_18 : i32 to index
      %swap3A_397 = arith.constant 32 : index
      %swap3A_398 = tpu.vector_load %arg11[%swap3A_396, %swap3A_397] {strides = array<i32>} : memref<32x64xf32, #tpu.memory_space<vmem>>, vector<1x16xf32>,
      %swap3A_399 = vector.shape_cast %swap3A_398 : vector<1x16xf32> to vector<16xf32>
      %swap3A_400 = vector.shape_cast %add3A_395 : vector<16xf32> to vector<1x16xf32>
      tpu.vector_store %arg11[%swap3A_396, %swap3A_397], %swap3A_400 {strides = array<i32>} : memref<32x64xf32, #tpu.memory_space<vmem>>, vector<1x16xf32>,
      %get3A_401 = arith.constant 0 : index
      %get3A_402 = tpu.vector_load %arg10[%get3A_401] {strides = array<i32>} : memref<16xf32, #tpu.memory_space<vmem>>, vector<16xf32>,
      %get3A_403 = vector.shape_cast %get3A_402 : vector<16xf32> to vector<16xf32>
      %mul3A_404 = arith.constant 8 : i32
      %mul3A_405 = arith.muli %add3A_18, %mul3A_404 : i32
      %add3A_406 = arith.constant 0 : i32
      %add3A_407 = arith.addi %mul3A_405, %add3A_406 : i32
      %get3A_408 = arith.index_cast %add3A_407 : i32 to index
      %get3A_409 = arith.constant 48 : index
      %get3A_410 = tpu.vector_load %arg8[%get3A_408, %get3A_409] {strides = array<i32>} : memref<256x128xf32, #tpu.memory_space<vmem>>, vector<1x16xf32>,
      %get3A_411 = vector.shape_cast %get3A_410 : vector<1x16xf32> to vector<16xf32>
      %get3A_412 = arith.constant 0 : i32
      %get3A_413 = arith.index_cast %get3A_412 : i32 to index
      %get3A_414 = arith.constant 0 : index
      %get3A_415 = tpu.vector_load %arg9[%get3A_413, %get3A_414] {strides = array<i32>} : memref<8x16xf32, #tpu.memory_space<vmem>>, vector<1x16xf32>,
      %get3A_416 = vector.shape_cast %get3A_415 : vector<1x16xf32> to vector<16xf32>
      %mul3A_417 = arith.mulf %get3A_411, %get3A_416 : vector<16xf32>
      %add3A_418 = arith.addf %get3A_403, %mul3A_417 : vector<16xf32>
      %mul3A_419 = arith.constant 8 : i32
      %mul3A_420 = arith.muli %add3A_18, %mul3A_419 : i32
      %add3A_421 = arith.constant 1 : i32
      %add3A_422 = arith.addi %mul3A_420, %add3A_421 : i32
      %get3A_423 = arith.index_cast %add3A_422 : i32 to index
      %get3A_424 = arith.constant 48 : index
      %get3A_425 = tpu.vector_load %arg8[%get3A_423, %get3A_424] {strides = array<i32>} : memref<256x128xf32, #tpu.memory_space<vmem>>, vector<1x16xf32>,
      %get3A_426 = vector.shape_cast %get3A_425 : vector<1x16xf32> to vector<16xf32>
      %get3A_427 = arith.constant 1 : i32
      %get3A_428 = arith.index_cast %get3A_427 : i32 to index
      %get3A_429 = arith.constant 0 : index
      %get3A_430 = tpu.vector_load %arg9[%get3A_428, %get3A_429] {strides = array<i32>} : memref<8x16xf32, #tpu.memory_space<vmem>>, vector<1x16xf32>,
      %get3A_431 = vector.shape_cast %get3A_430 : vector<1x16xf32> to vector<16xf32>
      %mul3A_432 = arith.mulf %get3A_426, %get3A_431 : vector<16xf32>
      %add3A_433 = arith.addf %add3A_418, %mul3A_432 : vector<16xf32>
      %mul3A_434 = arith.constant 8 : i32
      %mul3A_435 = arith.muli %add3A_18, %mul3A_434 : i32
      %add3A_436 = arith.constant 2 : i32
      %add3A_437 = arith.addi %mul3A_435, %add3A_436 : i32
      %get3A_438 = arith.index_cast %add3A_437 : i32 to index
      %get3A_439 = arith.constant 48 : index
      %get3A_440 = tpu.vector_load %arg8[%get3A_438, %get3A_439] {strides = array<i32>} : memref<256x128xf32, #tpu.memory_space<vmem>>, vector<1x16xf32>,
      %get3A_441 = vector.shape_cast %get3A_440 : vector<1x16xf32> to vector<16xf32>
      %get3A_442 = arith.constant 2 : i32
      %get3A_443 = arith.index_cast %get3A_442 : i32 to index
      %get3A_444 = arith.constant 0 : index
      %get3A_445 = tpu.vector_load %arg9[%get3A_443, %get3A_444] {strides = array<i32>} : memref<8x16xf32, #tpu.memory_space<vmem>>, vector<1x16xf32>,
      %get3A_446 = vector.shape_cast %get3A_445 : vector<1x16xf32> to vector<16xf32>
      %mul3A_447 = arith.mulf %get3A_441, %get3A_446 : vector<16xf32>
      %add3A_448 = arith.addf %add3A_433, %mul3A_447 : vector<16xf32>
      %mul3A_449 = arith.constant 8 : i32
      %mul3A_450 = arith.muli %add3A_18, %mul3A_449 : i32
      %add3A_451 = arith.constant 3 : i32
      %add3A_452 = arith.addi %mul3A_450, %add3A_451 : i32
      %get3A_453 = arith.index_cast %add3A_452 : i32 to index
      %get3A_454 = arith.constant 48 : index
      %get3A_455 = tpu.vector_load %arg8[%get3A_453, %get3A_454] {strides = array<i32>} : memref<256x128xf32, #tpu.memory_space<vmem>>, vector<1x16xf32>,
      %get3A_456 = vector.shape_cast %get3A_455 : vector<1x16xf32> to vector<16xf32>
      %get3A_457 = arith.constant 3 : i32
      %get3A_458 = arith.index_cast %get3A_457 : i32 to index
      %get3A_459 = arith.constant 0 : index
      %get3A_460 = tpu.vector_load %arg9[%get3A_458, %get3A_459] {strides = array<i32>} : memref<8x16xf32, #tpu.memory_space<vmem>>, vector<1x16xf32>,
      %get3A_461 = vector.shape_cast %get3A_460 : vector<1x16xf32> to vector<16xf32>
      %mul3A_462 = arith.mulf %get3A_456, %get3A_461 : vector<16xf32>
      %add3A_463 = arith.addf %add3A_448, %mul3A_462 : vector<16xf32>
      %mul3A_464 = arith.constant 8 : i32
      %mul3A_465 = arith.muli %add3A_18, %mul3A_464 : i32
      %add3A_466 = arith.constant 4 : i32
      %add3A_467 = arith.addi %mul3A_465, %add3A_466 : i32
      %get3A_468 = arith.index_cast %add3A_467 : i32 to index
      %get3A_469 = arith.constant 48 : index
      %get3A_470 = tpu.vector_load %arg8[%get3A_468, %get3A_469] {strides = array<i32>} : memref<256x128xf32, #tpu.memory_space<vmem>>, vector<1x16xf32>,
      %get3A_471 = vector.shape_cast %get3A_470 : vector<1x16xf32> to vector<16xf32>
      %get3A_472 = arith.constant 4 : i32
      %get3A_473 = arith.index_cast %get3A_472 : i32 to index
      %get3A_474 = arith.constant 0 : index
      %get3A_475 = tpu.vector_load %arg9[%get3A_473, %get3A_474] {strides = array<i32>} : memref<8x16xf32, #tpu.memory_space<vmem>>, vector<1x16xf32>,
      %get3A_476 = vector.shape_cast %get3A_475 : vector<1x16xf32> to vector<16xf32>
      %mul3A_477 = arith.mulf %get3A_471, %get3A_476 : vector<16xf32>
      %add3A_478 = arith.addf %add3A_463, %mul3A_477 : vector<16xf32>
      %mul3A_479 = arith.constant 8 : i32
      %mul3A_480 = arith.muli %add3A_18, %mul3A_479 : i32
      %add3A_481 = arith.constant 5 : i32
      %add3A_482 = arith.addi %mul3A_480, %add3A_481 : i32
      %get3A_483 = arith.index_cast %add3A_482 : i32 to index
      %get3A_484 = arith.constant 48 : index
      %get3A_485 = tpu.vector_load %arg8[%get3A_483, %get3A_484] {strides = array<i32>} : memref<256x128xf32, #tpu.memory_space<vmem>>, vector<1x16xf32>,
      %get3A_486 = vector.shape_cast %get3A_485 : vector<1x16xf32> to vector<16xf32>
      %get3A_487 = arith.constant 5 : i32
      %get3A_488 = arith.index_cast %get3A_487 : i32 to index
      %get3A_489 = arith.constant 0 : index
      %get3A_490 = tpu.vector_load %arg9[%get3A_488, %get3A_489] {strides = array<i32>} : memref<8x16xf32, #tpu.memory_space<vmem>>, vector<1x16xf32>,
      %get3A_491 = vector.shape_cast %get3A_490 : vector<1x16xf32> to vector<16xf32>
      %mul3A_492 = arith.mulf %get3A_486, %get3A_491 : vector<16xf32>
      %add3A_493 = arith.addf %add3A_478, %mul3A_492 : vector<16xf32>
      %mul3A_494 = arith.constant 8 : i32
      %mul3A_495 = arith.muli %add3A_18, %mul3A_494 : i32
      %add3A_496 = arith.constant 6 : i32
      %add3A_497 = arith.addi %mul3A_495, %add3A_496 : i32
      %get3A_498 = arith.index_cast %add3A_497 : i32 to index
      %get3A_499 = arith.constant 48 : index
      %get3A_500 = tpu.vector_load %arg8[%get3A_498, %get3A_499] {strides = array<i32>} : memref<256x128xf32, #tpu.memory_space<vmem>>, vector<1x16xf32>,
      %get3A_501 = vector.shape_cast %get3A_500 : vector<1x16xf32> to vector<16xf32>
      %get3A_502 = arith.constant 6 : i32
      %get3A_503 = arith.index_cast %get3A_502 : i32 to index
      %get3A_504 = arith.constant 0 : index
      %get3A_505 = tpu.vector_load %arg9[%get3A_503, %get3A_504] {strides = array<i32>} : memref<8x16xf32, #tpu.memory_space<vmem>>, vector<1x16xf32>,
      %get3A_506 = vector.shape_cast %get3A_505 : vector<1x16xf32> to vector<16xf32>
      %mul3A_507 = arith.mulf %get3A_501, %get3A_506 : vector<16xf32>
      %add3A_508 = arith.addf %add3A_493, %mul3A_507 : vector<16xf32>
      %mul3A_509 = arith.constant 8 : i32
      %mul3A_510 = arith.muli %add3A_18, %mul3A_509 : i32
      %add3A_511 = arith.constant 7 : i32
      %add3A_512 = arith.addi %mul3A_510, %add3A_511 : i32
      %get3A_513 = arith.index_cast %add3A_512 : i32 to index
      %get3A_514 = arith.constant 48 : index
      %get3A_515 = tpu.vector_load %arg8[%get3A_513, %get3A_514] {strides = array<i32>} : memref<256x128xf32, #tpu.memory_space<vmem>>, vector<1x16xf32>,
      %get3A_516 = vector.shape_cast %get3A_515 : vector<1x16xf32> to vector<16xf32>
      %get3A_517 = arith.constant 7 : i32
      %get3A_518 = arith.index_cast %get3A_517 : i32 to index
      %get3A_519 = arith.constant 0 : index
      %get3A_520 = tpu.vector_load %arg9[%get3A_518, %get3A_519] {strides = array<i32>} : memref<8x16xf32, #tpu.memory_space<vmem>>, vector<1x16xf32>,
      %get3A_521 = vector.shape_cast %get3A_520 : vector<1x16xf32> to vector<16xf32>
      %mul3A_522 = arith.mulf %get3A_516, %get3A_521 : vector<16xf32>
      %add3A_523 = arith.addf %add3A_508, %mul3A_522 : vector<16xf32>
      %swap3A_524 = arith.index_cast %add3A_18 : i32 to index
      %swap3A_525 = arith.constant 48 : index
      %swap3A_526 = tpu.vector_load %arg11[%swap3A_524, %swap3A_525] {strides = array<i32>} : memref<32x64xf32, #tpu.memory_space<vmem>>, vector<1x16xf32>,
      %swap3A_527 = vector.shape_cast %swap3A_526 : vector<1x16xf32> to vector<16xf32>
      %swap3A_528 = vector.shape_cast %add3A_523 : vector<16xf32> to vector<1x16xf32>
      tpu.vector_store %arg11[%swap3A_524, %swap3A_525], %swap3A_528 {strides = array<i32>} : memref<32x64xf32, #tpu.memory_space<vmem>>, vector<1x16xf32>,
    }
    %scan3A_11 = arith.constant 32 : i32
    %mul3A_12 = arith.constant 32 : i32
    %mul3A_13 = arith.muli %add3A, %mul3A_12 : i32
    "tpu.region"() ({
      %run_scoped3A = tpu.sem_alloc : memref<!tpu.dma_semaphore, #tpu.memory_space<semaphore_mem>>
      %dma_start3A = arith.constant 0 : i32
      %dma_start3A_14 = tpu.memref_slice %arg6[%mul3A_13, %dma_start3A] : memref<1024x64xf32, #tpu.memory_space<hbm>> -> memref<32x64xf32, #tpu.memory_space<hbm>>
      %dma_start3A_15 = arith.constant 0 : i32
      %dma_start3A_16 = tpu.memref_slice %arg6[%mul3A_13, %dma_start3A_15] : memref<1024x64xf32, #tpu.memory_space<hbm>> -> memref<32x64xf32, #tpu.memory_space<hbm>>
      tpu.enqueue_dma source(%arg11 : memref<32x64xf32, #tpu.memory_space<vmem>>) target(%dma_start3A_16 : memref<32x64xf32, #tpu.memory_space<hbm>>) target_semaphore(%run_scoped3A : memref<!tpu.dma_semaphore, #tpu.memory_space<semaphore_mem>>)
      %dma_wait3A = arith.constant 0 : i32
      %dma_wait3A_17 = tpu.memref_slice %arg6[%mul3A_13, %dma_wait3A] : memref<1024x64xf32, #tpu.memory_space<hbm>> -> memref<32x64xf32, #tpu.memory_space<hbm>>
      %dma_wait3A_18 = arith.constant 0 : i32
      %dma_wait3A_19 = tpu.memref_slice %arg6[%mul3A_13, %dma_wait3A_18] : memref<1024x64xf32, #tpu.memory_space<hbm>> -> memref<32x64xf32, #tpu.memory_space<hbm>>
      tpu.wait_dma2 semaphore(%run_scoped3A : memref<!tpu.dma_semaphore, #tpu.memory_space<semaphore_mem>>) src(%arg11 : memref<32x64xf32, #tpu.memory_space<vmem>>) dst(%dma_wait3A_19 : memref<32x64xf32, #tpu.memory_space<hbm>>)
      tpu.yield
    }) : () -> ()
    return
  }
}

module attributes {stable_mosaic.version = 14 : i64} {
  func.func @_k12_body(%arg0: i32, %arg1: memref<128x1xf32, #tpu.memory_space<vmem>>, %arg2: memref<128x1xf32, #tpu.memory_space<vmem>>, %arg3: memref<128x512xf32, #tpu.memory_space<vmem>>, %arg4: memref<128x512xf32, #tpu.memory_space<vmem>>, %arg5: memref<128x10xi32, #tpu.memory_space<vmem>>) attributes {dimension_semantics = [#tpu.dimension_semantics<arbitrary>], iteration_bounds = array<i64: 8>, scalar_prefetch = 0 : i64, scratch_operands = 0 : i64, tpu.core_type = #tpu.core_type<tc>, window_params = [{transform_indices = @transform_0, window_bounds = array<i64: 128, 1>}, {transform_indices = @transform_1, window_bounds = array<i64: 128, 1>}, {pipeline_mode = #tpu.pipeline_mode<synchronous>, transform_indices = @transform_2, window_bounds = array<i64: 128, 512>}, {pipeline_mode = #tpu.pipeline_mode<synchronous>, transform_indices = @transform_3, window_bounds = array<i64: 128, 512>}, {transform_indices = @transform_4, window_bounds = array<i64: 128, 10>}]} {
    %get3A = arith.constant 0 : index
    %get3A_0 = arith.constant 0 : index
    %get3A_1 = vector.load %arg1[%get3A, %get3A_0] : memref<128x1xf32, #tpu.memory_space<vmem>>, vector<128x1xf32>
    %get3A_2 = arith.constant 0 : index
    %get3A_3 = arith.constant 0 : index
    %get3A_4 = vector.load %arg2[%get3A_2, %get3A_3] : memref<128x1xf32, #tpu.memory_space<vmem>>, vector<128x1xf32>
    %broadcast_in_dim3A = arith.constant 0x7F800000 : f32
    %broadcast_in_dim3A_5 = vector.broadcast %broadcast_in_dim3A : f32 to vector<128x512xf32>
    %scan3A = arith.constant 0 : i32
    %scan3A_6 = arith.constant 8 : i32
    %scan3A_7 = arith.addi %scan3A, %scan3A_6 : i32
    %scan3A_8 = arith.constant 1 : i32
    %scan3A_9 = scf.for %scan3A_116 = %scan3A to %scan3A_7 step %scan3A_8 iter_args(%scan3A_117 = %broadcast_in_dim3A_5) -> (vector<128x512xf32>)  : i32 {
      %mul3A = arith.constant 16 : i32
      %mul3A_118 = arith.muli %scan3A_116, %mul3A : i32
      %get3A_119 = arith.index_cast %mul3A_118 : i32 to index
      %get3A_120 = arith.constant 0 : index
      %get3A_121 = vector.load %arg3[%get3A_119, %get3A_120] : memref<128x512xf32, #tpu.memory_space<vmem>>, vector<16x512xf32>
      %mul3A_122 = arith.constant 16 : i32
      %mul3A_123 = arith.muli %scan3A_116, %mul3A_122 : i32
      %get3A_124 = arith.index_cast %mul3A_123 : i32 to index
      %get3A_125 = arith.constant 0 : index
      %get3A_126 = vector.load %arg4[%get3A_124, %get3A_125] : memref<128x512xf32, #tpu.memory_space<vmem>>, vector<16x512xf32>
      %slice3A = vector.extract_strided_slice %get3A_121 {offsets = [0, 0], sizes = [1, 512], strides = [1, 1]} : vector<16x512xf32> to vector<1x512xf32>
      %sub3A = vector.broadcast %get3A_1 : vector<128x1xf32> to vector<128x512xf32>
      %sub3A_127 = vector.broadcast %slice3A : vector<1x512xf32> to vector<128x512xf32>
      %sub3A_128 = arith.subf %sub3A, %sub3A_127 : vector<128x512xf32>
      %slice3A_129 = vector.extract_strided_slice %get3A_126 {offsets = [0, 0], sizes = [1, 512], strides = [1, 1]} : vector<16x512xf32> to vector<1x512xf32>
      %sub3A_130 = vector.broadcast %get3A_4 : vector<128x1xf32> to vector<128x512xf32>
      %sub3A_131 = vector.broadcast %slice3A_129 : vector<1x512xf32> to vector<128x512xf32>
      %sub3A_132 = arith.subf %sub3A_130, %sub3A_131 : vector<128x512xf32>
      %mul3A_133 = arith.mulf %sub3A_128, %sub3A_128 : vector<128x512xf32>
      %mul3A_134 = arith.mulf %sub3A_132, %sub3A_132 : vector<128x512xf32>
      %add3A = arith.addf %mul3A_133, %mul3A_134 : vector<128x512xf32>
      %min3A = arith.minimumf %scan3A_117, %add3A : vector<128x512xf32>
      %slice3A_135 = vector.extract_strided_slice %get3A_121 {offsets = [1, 0], sizes = [1, 512], strides = [1, 1]} : vector<16x512xf32> to vector<1x512xf32>
      %sub3A_136 = vector.broadcast %get3A_1 : vector<128x1xf32> to vector<128x512xf32>
      %sub3A_137 = vector.broadcast %slice3A_135 : vector<1x512xf32> to vector<128x512xf32>
      %sub3A_138 = arith.subf %sub3A_136, %sub3A_137 : vector<128x512xf32>
      %slice3A_139 = vector.extract_strided_slice %get3A_126 {offsets = [1, 0], sizes = [1, 512], strides = [1, 1]} : vector<16x512xf32> to vector<1x512xf32>
      %sub3A_140 = vector.broadcast %get3A_4 : vector<128x1xf32> to vector<128x512xf32>
      %sub3A_141 = vector.broadcast %slice3A_139 : vector<1x512xf32> to vector<128x512xf32>
      %sub3A_142 = arith.subf %sub3A_140, %sub3A_141 : vector<128x512xf32>
      %mul3A_143 = arith.mulf %sub3A_138, %sub3A_138 : vector<128x512xf32>
      %mul3A_144 = arith.mulf %sub3A_142, %sub3A_142 : vector<128x512xf32>
      %add3A_145 = arith.addf %mul3A_143, %mul3A_144 : vector<128x512xf32>
      %min3A_146 = arith.minimumf %min3A, %add3A_145 : vector<128x512xf32>
      %slice3A_147 = vector.extract_strided_slice %get3A_121 {offsets = [2, 0], sizes = [1, 512], strides = [1, 1]} : vector<16x512xf32> to vector<1x512xf32>
      %sub3A_148 = vector.broadcast %get3A_1 : vector<128x1xf32> to vector<128x512xf32>
      %sub3A_149 = vector.broadcast %slice3A_147 : vector<1x512xf32> to vector<128x512xf32>
      %sub3A_150 = arith.subf %sub3A_148, %sub3A_149 : vector<128x512xf32>
      %slice3A_151 = vector.extract_strided_slice %get3A_126 {offsets = [2, 0], sizes = [1, 512], strides = [1, 1]} : vector<16x512xf32> to vector<1x512xf32>
      %sub3A_152 = vector.broadcast %get3A_4 : vector<128x1xf32> to vector<128x512xf32>
      %sub3A_153 = vector.broadcast %slice3A_151 : vector<1x512xf32> to vector<128x512xf32>
      %sub3A_154 = arith.subf %sub3A_152, %sub3A_153 : vector<128x512xf32>
      %mul3A_155 = arith.mulf %sub3A_150, %sub3A_150 : vector<128x512xf32>
      %mul3A_156 = arith.mulf %sub3A_154, %sub3A_154 : vector<128x512xf32>
      %add3A_157 = arith.addf %mul3A_155, %mul3A_156 : vector<128x512xf32>
      %min3A_158 = arith.minimumf %min3A_146, %add3A_157 : vector<128x512xf32>
      %slice3A_159 = vector.extract_strided_slice %get3A_121 {offsets = [3, 0], sizes = [1, 512], strides = [1, 1]} : vector<16x512xf32> to vector<1x512xf32>
      %sub3A_160 = vector.broadcast %get3A_1 : vector<128x1xf32> to vector<128x512xf32>
      %sub3A_161 = vector.broadcast %slice3A_159 : vector<1x512xf32> to vector<128x512xf32>
      %sub3A_162 = arith.subf %sub3A_160, %sub3A_161 : vector<128x512xf32>
      %slice3A_163 = vector.extract_strided_slice %get3A_126 {offsets = [3, 0], sizes = [1, 512], strides = [1, 1]} : vector<16x512xf32> to vector<1x512xf32>
      %sub3A_164 = vector.broadcast %get3A_4 : vector<128x1xf32> to vector<128x512xf32>
      %sub3A_165 = vector.broadcast %slice3A_163 : vector<1x512xf32> to vector<128x512xf32>
      %sub3A_166 = arith.subf %sub3A_164, %sub3A_165 : vector<128x512xf32>
      %mul3A_167 = arith.mulf %sub3A_162, %sub3A_162 : vector<128x512xf32>
      %mul3A_168 = arith.mulf %sub3A_166, %sub3A_166 : vector<128x512xf32>
      %add3A_169 = arith.addf %mul3A_167, %mul3A_168 : vector<128x512xf32>
      %min3A_170 = arith.minimumf %min3A_158, %add3A_169 : vector<128x512xf32>
      %slice3A_171 = vector.extract_strided_slice %get3A_121 {offsets = [4, 0], sizes = [1, 512], strides = [1, 1]} : vector<16x512xf32> to vector<1x512xf32>
      %sub3A_172 = vector.broadcast %get3A_1 : vector<128x1xf32> to vector<128x512xf32>
      %sub3A_173 = vector.broadcast %slice3A_171 : vector<1x512xf32> to vector<128x512xf32>
      %sub3A_174 = arith.subf %sub3A_172, %sub3A_173 : vector<128x512xf32>
      %slice3A_175 = vector.extract_strided_slice %get3A_126 {offsets = [4, 0], sizes = [1, 512], strides = [1, 1]} : vector<16x512xf32> to vector<1x512xf32>
      %sub3A_176 = vector.broadcast %get3A_4 : vector<128x1xf32> to vector<128x512xf32>
      %sub3A_177 = vector.broadcast %slice3A_175 : vector<1x512xf32> to vector<128x512xf32>
      %sub3A_178 = arith.subf %sub3A_176, %sub3A_177 : vector<128x512xf32>
      %mul3A_179 = arith.mulf %sub3A_174, %sub3A_174 : vector<128x512xf32>
      %mul3A_180 = arith.mulf %sub3A_178, %sub3A_178 : vector<128x512xf32>
      %add3A_181 = arith.addf %mul3A_179, %mul3A_180 : vector<128x512xf32>
      %min3A_182 = arith.minimumf %min3A_170, %add3A_181 : vector<128x512xf32>
      %slice3A_183 = vector.extract_strided_slice %get3A_121 {offsets = [5, 0], sizes = [1, 512], strides = [1, 1]} : vector<16x512xf32> to vector<1x512xf32>
      %sub3A_184 = vector.broadcast %get3A_1 : vector<128x1xf32> to vector<128x512xf32>
      %sub3A_185 = vector.broadcast %slice3A_183 : vector<1x512xf32> to vector<128x512xf32>
      %sub3A_186 = arith.subf %sub3A_184, %sub3A_185 : vector<128x512xf32>
      %slice3A_187 = vector.extract_strided_slice %get3A_126 {offsets = [5, 0], sizes = [1, 512], strides = [1, 1]} : vector<16x512xf32> to vector<1x512xf32>
      %sub3A_188 = vector.broadcast %get3A_4 : vector<128x1xf32> to vector<128x512xf32>
      %sub3A_189 = vector.broadcast %slice3A_187 : vector<1x512xf32> to vector<128x512xf32>
      %sub3A_190 = arith.subf %sub3A_188, %sub3A_189 : vector<128x512xf32>
      %mul3A_191 = arith.mulf %sub3A_186, %sub3A_186 : vector<128x512xf32>
      %mul3A_192 = arith.mulf %sub3A_190, %sub3A_190 : vector<128x512xf32>
      %add3A_193 = arith.addf %mul3A_191, %mul3A_192 : vector<128x512xf32>
      %min3A_194 = arith.minimumf %min3A_182, %add3A_193 : vector<128x512xf32>
      %slice3A_195 = vector.extract_strided_slice %get3A_121 {offsets = [6, 0], sizes = [1, 512], strides = [1, 1]} : vector<16x512xf32> to vector<1x512xf32>
      %sub3A_196 = vector.broadcast %get3A_1 : vector<128x1xf32> to vector<128x512xf32>
      %sub3A_197 = vector.broadcast %slice3A_195 : vector<1x512xf32> to vector<128x512xf32>
      %sub3A_198 = arith.subf %sub3A_196, %sub3A_197 : vector<128x512xf32>
      %slice3A_199 = vector.extract_strided_slice %get3A_126 {offsets = [6, 0], sizes = [1, 512], strides = [1, 1]} : vector<16x512xf32> to vector<1x512xf32>
      %sub3A_200 = vector.broadcast %get3A_4 : vector<128x1xf32> to vector<128x512xf32>
      %sub3A_201 = vector.broadcast %slice3A_199 : vector<1x512xf32> to vector<128x512xf32>
      %sub3A_202 = arith.subf %sub3A_200, %sub3A_201 : vector<128x512xf32>
      %mul3A_203 = arith.mulf %sub3A_198, %sub3A_198 : vector<128x512xf32>
      %mul3A_204 = arith.mulf %sub3A_202, %sub3A_202 : vector<128x512xf32>
      %add3A_205 = arith.addf %mul3A_203, %mul3A_204 : vector<128x512xf32>
      %min3A_206 = arith.minimumf %min3A_194, %add3A_205 : vector<128x512xf32>
      %slice3A_207 = vector.extract_strided_slice %get3A_121 {offsets = [7, 0], sizes = [1, 512], strides = [1, 1]} : vector<16x512xf32> to vector<1x512xf32>
      %sub3A_208 = vector.broadcast %get3A_1 : vector<128x1xf32> to vector<128x512xf32>
      %sub3A_209 = vector.broadcast %slice3A_207 : vector<1x512xf32> to vector<128x512xf32>
      %sub3A_210 = arith.subf %sub3A_208, %sub3A_209 : vector<128x512xf32>
      %slice3A_211 = vector.extract_strided_slice %get3A_126 {offsets = [7, 0], sizes = [1, 512], strides = [1, 1]} : vector<16x512xf32> to vector<1x512xf32>
      %sub3A_212 = vector.broadcast %get3A_4 : vector<128x1xf32> to vector<128x512xf32>
      %sub3A_213 = vector.broadcast %slice3A_211 : vector<1x512xf32> to vector<128x512xf32>
      %sub3A_214 = arith.subf %sub3A_212, %sub3A_213 : vector<128x512xf32>
      %mul3A_215 = arith.mulf %sub3A_210, %sub3A_210 : vector<128x512xf32>
      %mul3A_216 = arith.mulf %sub3A_214, %sub3A_214 : vector<128x512xf32>
      %add3A_217 = arith.addf %mul3A_215, %mul3A_216 : vector<128x512xf32>
      %min3A_218 = arith.minimumf %min3A_206, %add3A_217 : vector<128x512xf32>
      %slice3A_219 = vector.extract_strided_slice %get3A_121 {offsets = [8, 0], sizes = [1, 512], strides = [1, 1]} : vector<16x512xf32> to vector<1x512xf32>
      %sub3A_220 = vector.broadcast %get3A_1 : vector<128x1xf32> to vector<128x512xf32>
      %sub3A_221 = vector.broadcast %slice3A_219 : vector<1x512xf32> to vector<128x512xf32>
      %sub3A_222 = arith.subf %sub3A_220, %sub3A_221 : vector<128x512xf32>
      %slice3A_223 = vector.extract_strided_slice %get3A_126 {offsets = [8, 0], sizes = [1, 512], strides = [1, 1]} : vector<16x512xf32> to vector<1x512xf32>
      %sub3A_224 = vector.broadcast %get3A_4 : vector<128x1xf32> to vector<128x512xf32>
      %sub3A_225 = vector.broadcast %slice3A_223 : vector<1x512xf32> to vector<128x512xf32>
      %sub3A_226 = arith.subf %sub3A_224, %sub3A_225 : vector<128x512xf32>
      %mul3A_227 = arith.mulf %sub3A_222, %sub3A_222 : vector<128x512xf32>
      %mul3A_228 = arith.mulf %sub3A_226, %sub3A_226 : vector<128x512xf32>
      %add3A_229 = arith.addf %mul3A_227, %mul3A_228 : vector<128x512xf32>
      %min3A_230 = arith.minimumf %min3A_218, %add3A_229 : vector<128x512xf32>
      %slice3A_231 = vector.extract_strided_slice %get3A_121 {offsets = [9, 0], sizes = [1, 512], strides = [1, 1]} : vector<16x512xf32> to vector<1x512xf32>
      %sub3A_232 = vector.broadcast %get3A_1 : vector<128x1xf32> to vector<128x512xf32>
      %sub3A_233 = vector.broadcast %slice3A_231 : vector<1x512xf32> to vector<128x512xf32>
      %sub3A_234 = arith.subf %sub3A_232, %sub3A_233 : vector<128x512xf32>
      %slice3A_235 = vector.extract_strided_slice %get3A_126 {offsets = [9, 0], sizes = [1, 512], strides = [1, 1]} : vector<16x512xf32> to vector<1x512xf32>
      %sub3A_236 = vector.broadcast %get3A_4 : vector<128x1xf32> to vector<128x512xf32>
      %sub3A_237 = vector.broadcast %slice3A_235 : vector<1x512xf32> to vector<128x512xf32>
      %sub3A_238 = arith.subf %sub3A_236, %sub3A_237 : vector<128x512xf32>
      %mul3A_239 = arith.mulf %sub3A_234, %sub3A_234 : vector<128x512xf32>
      %mul3A_240 = arith.mulf %sub3A_238, %sub3A_238 : vector<128x512xf32>
      %add3A_241 = arith.addf %mul3A_239, %mul3A_240 : vector<128x512xf32>
      %min3A_242 = arith.minimumf %min3A_230, %add3A_241 : vector<128x512xf32>
      %slice3A_243 = vector.extract_strided_slice %get3A_121 {offsets = [10, 0], sizes = [1, 512], strides = [1, 1]} : vector<16x512xf32> to vector<1x512xf32>
      %sub3A_244 = vector.broadcast %get3A_1 : vector<128x1xf32> to vector<128x512xf32>
      %sub3A_245 = vector.broadcast %slice3A_243 : vector<1x512xf32> to vector<128x512xf32>
      %sub3A_246 = arith.subf %sub3A_244, %sub3A_245 : vector<128x512xf32>
      %slice3A_247 = vector.extract_strided_slice %get3A_126 {offsets = [10, 0], sizes = [1, 512], strides = [1, 1]} : vector<16x512xf32> to vector<1x512xf32>
      %sub3A_248 = vector.broadcast %get3A_4 : vector<128x1xf32> to vector<128x512xf32>
      %sub3A_249 = vector.broadcast %slice3A_247 : vector<1x512xf32> to vector<128x512xf32>
      %sub3A_250 = arith.subf %sub3A_248, %sub3A_249 : vector<128x512xf32>
      %mul3A_251 = arith.mulf %sub3A_246, %sub3A_246 : vector<128x512xf32>
      %mul3A_252 = arith.mulf %sub3A_250, %sub3A_250 : vector<128x512xf32>
      %add3A_253 = arith.addf %mul3A_251, %mul3A_252 : vector<128x512xf32>
      %min3A_254 = arith.minimumf %min3A_242, %add3A_253 : vector<128x512xf32>
      %slice3A_255 = vector.extract_strided_slice %get3A_121 {offsets = [11, 0], sizes = [1, 512], strides = [1, 1]} : vector<16x512xf32> to vector<1x512xf32>
      %sub3A_256 = vector.broadcast %get3A_1 : vector<128x1xf32> to vector<128x512xf32>
      %sub3A_257 = vector.broadcast %slice3A_255 : vector<1x512xf32> to vector<128x512xf32>
      %sub3A_258 = arith.subf %sub3A_256, %sub3A_257 : vector<128x512xf32>
      %slice3A_259 = vector.extract_strided_slice %get3A_126 {offsets = [11, 0], sizes = [1, 512], strides = [1, 1]} : vector<16x512xf32> to vector<1x512xf32>
      %sub3A_260 = vector.broadcast %get3A_4 : vector<128x1xf32> to vector<128x512xf32>
      %sub3A_261 = vector.broadcast %slice3A_259 : vector<1x512xf32> to vector<128x512xf32>
      %sub3A_262 = arith.subf %sub3A_260, %sub3A_261 : vector<128x512xf32>
      %mul3A_263 = arith.mulf %sub3A_258, %sub3A_258 : vector<128x512xf32>
      %mul3A_264 = arith.mulf %sub3A_262, %sub3A_262 : vector<128x512xf32>
      %add3A_265 = arith.addf %mul3A_263, %mul3A_264 : vector<128x512xf32>
      %min3A_266 = arith.minimumf %min3A_254, %add3A_265 : vector<128x512xf32>
      %slice3A_267 = vector.extract_strided_slice %get3A_121 {offsets = [12, 0], sizes = [1, 512], strides = [1, 1]} : vector<16x512xf32> to vector<1x512xf32>
      %sub3A_268 = vector.broadcast %get3A_1 : vector<128x1xf32> to vector<128x512xf32>
      %sub3A_269 = vector.broadcast %slice3A_267 : vector<1x512xf32> to vector<128x512xf32>
      %sub3A_270 = arith.subf %sub3A_268, %sub3A_269 : vector<128x512xf32>
      %slice3A_271 = vector.extract_strided_slice %get3A_126 {offsets = [12, 0], sizes = [1, 512], strides = [1, 1]} : vector<16x512xf32> to vector<1x512xf32>
      %sub3A_272 = vector.broadcast %get3A_4 : vector<128x1xf32> to vector<128x512xf32>
      %sub3A_273 = vector.broadcast %slice3A_271 : vector<1x512xf32> to vector<128x512xf32>
      %sub3A_274 = arith.subf %sub3A_272, %sub3A_273 : vector<128x512xf32>
      %mul3A_275 = arith.mulf %sub3A_270, %sub3A_270 : vector<128x512xf32>
      %mul3A_276 = arith.mulf %sub3A_274, %sub3A_274 : vector<128x512xf32>
      %add3A_277 = arith.addf %mul3A_275, %mul3A_276 : vector<128x512xf32>
      %min3A_278 = arith.minimumf %min3A_266, %add3A_277 : vector<128x512xf32>
      %slice3A_279 = vector.extract_strided_slice %get3A_121 {offsets = [13, 0], sizes = [1, 512], strides = [1, 1]} : vector<16x512xf32> to vector<1x512xf32>
      %sub3A_280 = vector.broadcast %get3A_1 : vector<128x1xf32> to vector<128x512xf32>
      %sub3A_281 = vector.broadcast %slice3A_279 : vector<1x512xf32> to vector<128x512xf32>
      %sub3A_282 = arith.subf %sub3A_280, %sub3A_281 : vector<128x512xf32>
      %slice3A_283 = vector.extract_strided_slice %get3A_126 {offsets = [13, 0], sizes = [1, 512], strides = [1, 1]} : vector<16x512xf32> to vector<1x512xf32>
      %sub3A_284 = vector.broadcast %get3A_4 : vector<128x1xf32> to vector<128x512xf32>
      %sub3A_285 = vector.broadcast %slice3A_283 : vector<1x512xf32> to vector<128x512xf32>
      %sub3A_286 = arith.subf %sub3A_284, %sub3A_285 : vector<128x512xf32>
      %mul3A_287 = arith.mulf %sub3A_282, %sub3A_282 : vector<128x512xf32>
      %mul3A_288 = arith.mulf %sub3A_286, %sub3A_286 : vector<128x512xf32>
      %add3A_289 = arith.addf %mul3A_287, %mul3A_288 : vector<128x512xf32>
      %min3A_290 = arith.minimumf %min3A_278, %add3A_289 : vector<128x512xf32>
      %slice3A_291 = vector.extract_strided_slice %get3A_121 {offsets = [14, 0], sizes = [1, 512], strides = [1, 1]} : vector<16x512xf32> to vector<1x512xf32>
      %sub3A_292 = vector.broadcast %get3A_1 : vector<128x1xf32> to vector<128x512xf32>
      %sub3A_293 = vector.broadcast %slice3A_291 : vector<1x512xf32> to vector<128x512xf32>
      %sub3A_294 = arith.subf %sub3A_292, %sub3A_293 : vector<128x512xf32>
      %slice3A_295 = vector.extract_strided_slice %get3A_126 {offsets = [14, 0], sizes = [1, 512], strides = [1, 1]} : vector<16x512xf32> to vector<1x512xf32>
      %sub3A_296 = vector.broadcast %get3A_4 : vector<128x1xf32> to vector<128x512xf32>
      %sub3A_297 = vector.broadcast %slice3A_295 : vector<1x512xf32> to vector<128x512xf32>
      %sub3A_298 = arith.subf %sub3A_296, %sub3A_297 : vector<128x512xf32>
      %mul3A_299 = arith.mulf %sub3A_294, %sub3A_294 : vector<128x512xf32>
      %mul3A_300 = arith.mulf %sub3A_298, %sub3A_298 : vector<128x512xf32>
      %add3A_301 = arith.addf %mul3A_299, %mul3A_300 : vector<128x512xf32>
      %min3A_302 = arith.minimumf %min3A_290, %add3A_301 : vector<128x512xf32>
      %slice3A_303 = vector.extract_strided_slice %get3A_121 {offsets = [15, 0], sizes = [1, 512], strides = [1, 1]} : vector<16x512xf32> to vector<1x512xf32>
      %sub3A_304 = vector.broadcast %get3A_1 : vector<128x1xf32> to vector<128x512xf32>
      %sub3A_305 = vector.broadcast %slice3A_303 : vector<1x512xf32> to vector<128x512xf32>
      %sub3A_306 = arith.subf %sub3A_304, %sub3A_305 : vector<128x512xf32>
      %slice3A_307 = vector.extract_strided_slice %get3A_126 {offsets = [15, 0], sizes = [1, 512], strides = [1, 1]} : vector<16x512xf32> to vector<1x512xf32>
      %sub3A_308 = vector.broadcast %get3A_4 : vector<128x1xf32> to vector<128x512xf32>
      %sub3A_309 = vector.broadcast %slice3A_307 : vector<1x512xf32> to vector<128x512xf32>
      %sub3A_310 = arith.subf %sub3A_308, %sub3A_309 : vector<128x512xf32>
      %mul3A_311 = arith.mulf %sub3A_306, %sub3A_306 : vector<128x512xf32>
      %mul3A_312 = arith.mulf %sub3A_310, %sub3A_310 : vector<128x512xf32>
      %add3A_313 = arith.addf %mul3A_311, %mul3A_312 : vector<128x512xf32>
      %min3A_314 = arith.minimumf %min3A_302, %add3A_313 : vector<128x512xf32>
      scf.yield %min3A_314 : vector<128x512xf32>
    }
    %scan3A_10 = arith.constant 8 : i32
    %bitcast_convert_type3A = tpu.bitcast %scan3A_9 : vector<128x512xf32> -> vector<128x512xi32>
    %iota3A = tpu.iota {dimensions = array<i32: 1>} : vector<128x512xi32>
    %and3A = arith.constant -512 : i32
    %and3A_11 = vector.broadcast %and3A : i32 to vector<128x512xi32>
    %and3A_12 = arith.andi %bitcast_convert_type3A, %and3A_11 : vector<128x512xi32>
    %or3A = arith.ori %and3A_12, %iota3A : vector<128x512xi32>
    %reduce_min3A = arith.constant dense<2147483647> : vector<128xi32>
    %reduce_min3A_13 = vector.multi_reduction <minsi>, %or3A, %reduce_min3A [1] : vector<128x512xi32> to vector<128xi32>
    %broadcast_in_dim3A_14 = vector.shape_cast %reduce_min3A_13 : vector<128xi32> to vector<128x1xi32>
    %and3A_15 = arith.constant 511 : i32
    %and3A_16 = vector.broadcast %and3A_15 : i32 to vector<128x1xi32>
    %and3A_17 = arith.andi %broadcast_in_dim3A_14, %and3A_16 : vector<128x1xi32>
    %eq3A = vector.broadcast %broadcast_in_dim3A_14 : vector<128x1xi32> to vector<128x512xi32>
    %eq3A_18 = arith.cmpi eq, %or3A, %eq3A : vector<128x512xi32>
    %jit3A = arith.constant 2147483647 : i32
    %broadcast_in_dim3A_19 = vector.broadcast %jit3A : i32 to vector<128x512xi32>
    %select_n3A = arith.select %eq3A_18, %broadcast_in_dim3A_19, %or3A : vector<128x512xi1>, vector<128x512xi32>
    %reduce_min3A_20 = arith.constant dense<2147483647> : vector<128xi32>
    %reduce_min3A_21 = vector.multi_reduction <minsi>, %select_n3A, %reduce_min3A_20 [1] : vector<128x512xi32> to vector<128xi32>
    %broadcast_in_dim3A_22 = vector.shape_cast %reduce_min3A_21 : vector<128xi32> to vector<128x1xi32>
    %and3A_23 = arith.constant 511 : i32
    %and3A_24 = vector.broadcast %and3A_23 : i32 to vector<128x1xi32>
    %and3A_25 = arith.andi %broadcast_in_dim3A_22, %and3A_24 : vector<128x1xi32>
    %eq3A_26 = vector.broadcast %broadcast_in_dim3A_22 : vector<128x1xi32> to vector<128x512xi32>
    %eq3A_27 = arith.cmpi eq, %select_n3A, %eq3A_26 : vector<128x512xi32>
    %jit3A_28 = arith.constant 2147483647 : i32
    %broadcast_in_dim3A_29 = vector.broadcast %jit3A_28 : i32 to vector<128x512xi32>
    %select_n3A_30 = arith.select %eq3A_27, %broadcast_in_dim3A_29, %select_n3A : vector<128x512xi1>, vector<128x512xi32>
    %reduce_min3A_31 = arith.constant dense<2147483647> : vector<128xi32>
    %reduce_min3A_32 = vector.multi_reduction <minsi>, %select_n3A_30, %reduce_min3A_31 [1] : vector<128x512xi32> to vector<128xi32>
    %broadcast_in_dim3A_33 = vector.shape_cast %reduce_min3A_32 : vector<128xi32> to vector<128x1xi32>
    %and3A_34 = arith.constant 511 : i32
    %and3A_35 = vector.broadcast %and3A_34 : i32 to vector<128x1xi32>
    %and3A_36 = arith.andi %broadcast_in_dim3A_33, %and3A_35 : vector<128x1xi32>
    %eq3A_37 = vector.broadcast %broadcast_in_dim3A_33 : vector<128x1xi32> to vector<128x512xi32>
    %eq3A_38 = arith.cmpi eq, %select_n3A_30, %eq3A_37 : vector<128x512xi32>
    %jit3A_39 = arith.constant 2147483647 : i32
    %broadcast_in_dim3A_40 = vector.broadcast %jit3A_39 : i32 to vector<128x512xi32>
    %select_n3A_41 = arith.select %eq3A_38, %broadcast_in_dim3A_40, %select_n3A_30 : vector<128x512xi1>, vector<128x512xi32>
    %reduce_min3A_42 = arith.constant dense<2147483647> : vector<128xi32>
    %reduce_min3A_43 = vector.multi_reduction <minsi>, %select_n3A_41, %reduce_min3A_42 [1] : vector<128x512xi32> to vector<128xi32>
    %broadcast_in_dim3A_44 = vector.shape_cast %reduce_min3A_43 : vector<128xi32> to vector<128x1xi32>
    %and3A_45 = arith.constant 511 : i32
    %and3A_46 = vector.broadcast %and3A_45 : i32 to vector<128x1xi32>
    %and3A_47 = arith.andi %broadcast_in_dim3A_44, %and3A_46 : vector<128x1xi32>
    %eq3A_48 = vector.broadcast %broadcast_in_dim3A_44 : vector<128x1xi32> to vector<128x512xi32>
    %eq3A_49 = arith.cmpi eq, %select_n3A_41, %eq3A_48 : vector<128x512xi32>
    %jit3A_50 = arith.constant 2147483647 : i32
    %broadcast_in_dim3A_51 = vector.broadcast %jit3A_50 : i32 to vector<128x512xi32>
    %select_n3A_52 = arith.select %eq3A_49, %broadcast_in_dim3A_51, %select_n3A_41 : vector<128x512xi1>, vector<128x512xi32>
    %reduce_min3A_53 = arith.constant dense<2147483647> : vector<128xi32>
    %reduce_min3A_54 = vector.multi_reduction <minsi>, %select_n3A_52, %reduce_min3A_53 [1] : vector<128x512xi32> to vector<128xi32>
    %broadcast_in_dim3A_55 = vector.shape_cast %reduce_min3A_54 : vector<128xi32> to vector<128x1xi32>
    %and3A_56 = arith.constant 511 : i32
    %and3A_57 = vector.broadcast %and3A_56 : i32 to vector<128x1xi32>
    %and3A_58 = arith.andi %broadcast_in_dim3A_55, %and3A_57 : vector<128x1xi32>
    %eq3A_59 = vector.broadcast %broadcast_in_dim3A_55 : vector<128x1xi32> to vector<128x512xi32>
    %eq3A_60 = arith.cmpi eq, %select_n3A_52, %eq3A_59 : vector<128x512xi32>
    %jit3A_61 = arith.constant 2147483647 : i32
    %broadcast_in_dim3A_62 = vector.broadcast %jit3A_61 : i32 to vector<128x512xi32>
    %select_n3A_63 = arith.select %eq3A_60, %broadcast_in_dim3A_62, %select_n3A_52 : vector<128x512xi1>, vector<128x512xi32>
    %reduce_min3A_64 = arith.constant dense<2147483647> : vector<128xi32>
    %reduce_min3A_65 = vector.multi_reduction <minsi>, %select_n3A_63, %reduce_min3A_64 [1] : vector<128x512xi32> to vector<128xi32>
    %broadcast_in_dim3A_66 = vector.shape_cast %reduce_min3A_65 : vector<128xi32> to vector<128x1xi32>
    %and3A_67 = arith.constant 511 : i32
    %and3A_68 = vector.broadcast %and3A_67 : i32 to vector<128x1xi32>
    %and3A_69 = arith.andi %broadcast_in_dim3A_66, %and3A_68 : vector<128x1xi32>
    %eq3A_70 = vector.broadcast %broadcast_in_dim3A_66 : vector<128x1xi32> to vector<128x512xi32>
    %eq3A_71 = arith.cmpi eq, %select_n3A_63, %eq3A_70 : vector<128x512xi32>
    %jit3A_72 = arith.constant 2147483647 : i32
    %broadcast_in_dim3A_73 = vector.broadcast %jit3A_72 : i32 to vector<128x512xi32>
    %select_n3A_74 = arith.select %eq3A_71, %broadcast_in_dim3A_73, %select_n3A_63 : vector<128x512xi1>, vector<128x512xi32>
    %reduce_min3A_75 = arith.constant dense<2147483647> : vector<128xi32>
    %reduce_min3A_76 = vector.multi_reduction <minsi>, %select_n3A_74, %reduce_min3A_75 [1] : vector<128x512xi32> to vector<128xi32>
    %broadcast_in_dim3A_77 = vector.shape_cast %reduce_min3A_76 : vector<128xi32> to vector<128x1xi32>
    %and3A_78 = arith.constant 511 : i32
    %and3A_79 = vector.broadcast %and3A_78 : i32 to vector<128x1xi32>
    %and3A_80 = arith.andi %broadcast_in_dim3A_77, %and3A_79 : vector<128x1xi32>
    %eq3A_81 = vector.broadcast %broadcast_in_dim3A_77 : vector<128x1xi32> to vector<128x512xi32>
    %eq3A_82 = arith.cmpi eq, %select_n3A_74, %eq3A_81 : vector<128x512xi32>
    %jit3A_83 = arith.constant 2147483647 : i32
    %broadcast_in_dim3A_84 = vector.broadcast %jit3A_83 : i32 to vector<128x512xi32>
    %select_n3A_85 = arith.select %eq3A_82, %broadcast_in_dim3A_84, %select_n3A_74 : vector<128x512xi1>, vector<128x512xi32>
    %reduce_min3A_86 = arith.constant dense<2147483647> : vector<128xi32>
    %reduce_min3A_87 = vector.multi_reduction <minsi>, %select_n3A_85, %reduce_min3A_86 [1] : vector<128x512xi32> to vector<128xi32>
    %broadcast_in_dim3A_88 = vector.shape_cast %reduce_min3A_87 : vector<128xi32> to vector<128x1xi32>
    %and3A_89 = arith.constant 511 : i32
    %and3A_90 = vector.broadcast %and3A_89 : i32 to vector<128x1xi32>
    %and3A_91 = arith.andi %broadcast_in_dim3A_88, %and3A_90 : vector<128x1xi32>
    %eq3A_92 = vector.broadcast %broadcast_in_dim3A_88 : vector<128x1xi32> to vector<128x512xi32>
    %eq3A_93 = arith.cmpi eq, %select_n3A_85, %eq3A_92 : vector<128x512xi32>
    %jit3A_94 = arith.constant 2147483647 : i32
    %broadcast_in_dim3A_95 = vector.broadcast %jit3A_94 : i32 to vector<128x512xi32>
    %select_n3A_96 = arith.select %eq3A_93, %broadcast_in_dim3A_95, %select_n3A_85 : vector<128x512xi1>, vector<128x512xi32>
    %reduce_min3A_97 = arith.constant dense<2147483647> : vector<128xi32>
    %reduce_min3A_98 = vector.multi_reduction <minsi>, %select_n3A_96, %reduce_min3A_97 [1] : vector<128x512xi32> to vector<128xi32>
    %broadcast_in_dim3A_99 = vector.shape_cast %reduce_min3A_98 : vector<128xi32> to vector<128x1xi32>
    %and3A_100 = arith.constant 511 : i32
    %and3A_101 = vector.broadcast %and3A_100 : i32 to vector<128x1xi32>
    %and3A_102 = arith.andi %broadcast_in_dim3A_99, %and3A_101 : vector<128x1xi32>
    %eq3A_103 = vector.broadcast %broadcast_in_dim3A_99 : vector<128x1xi32> to vector<128x512xi32>
    %eq3A_104 = arith.cmpi eq, %select_n3A_96, %eq3A_103 : vector<128x512xi32>
    %jit3A_105 = arith.constant 2147483647 : i32
    %broadcast_in_dim3A_106 = vector.broadcast %jit3A_105 : i32 to vector<128x512xi32>
    %select_n3A_107 = arith.select %eq3A_104, %broadcast_in_dim3A_106, %select_n3A_96 : vector<128x512xi1>, vector<128x512xi32>
    %reduce_min3A_108 = arith.constant dense<2147483647> : vector<128xi32>
    %reduce_min3A_109 = vector.multi_reduction <minsi>, %select_n3A_107, %reduce_min3A_108 [1] : vector<128x512xi32> to vector<128xi32>
    %broadcast_in_dim3A_110 = vector.shape_cast %reduce_min3A_109 : vector<128xi32> to vector<128x1xi32>
    %and3A_111 = arith.constant 511 : i32
    %and3A_112 = vector.broadcast %and3A_111 : i32 to vector<128x1xi32>
    %and3A_113 = arith.andi %broadcast_in_dim3A_110, %and3A_112 : vector<128x1xi32>
    %concatenate3A = tpu.concatenate %and3A_17, %and3A_25, %and3A_36, %and3A_47, %and3A_58, %and3A_69, %and3A_80, %and3A_91, %and3A_102, %and3A_113 in 1 : vector<128x1xi32>, vector<128x1xi32>, vector<128x1xi32>, vector<128x1xi32>, vector<128x1xi32>, vector<128x1xi32>, vector<128x1xi32>, vector<128x1xi32>, vector<128x1xi32>, vector<128x1xi32> -> vector<128x10xi32>
    %swap3A = arith.constant 0 : index
    %swap3A_114 = arith.constant 0 : index
    %swap3A_115 = vector.load %arg5[%swap3A, %swap3A_114] : memref<128x10xi32, #tpu.memory_space<vmem>>, vector<128x10xi32>
    tpu.vector_store %arg5[%swap3A, %swap3A_114], %concatenate3A {strides = array<i32>} : memref<128x10xi32, #tpu.memory_space<vmem>>, vector<128x10xi32>,
    return
  }
  func.func @transform_0(%arg0: i32) -> (i32, i32) {
    %c0_i32 = arith.constant 0 : i32
    %c0_i32_0 = arith.constant 0 : i32
    return %arg0, %c0_i32 : i32, i32
  }
  func.func @transform_1(%arg0: i32) -> (i32, i32) {
    %c0_i32 = arith.constant 0 : i32
    %c0_i32_0 = arith.constant 0 : i32
    return %arg0, %c0_i32 : i32, i32
  }
  func.func @transform_2(%arg0: i32) -> (i32, i32) {
    %c0_i32 = arith.constant 0 : i32
    %c0_i32_0 = arith.constant 0 : i32
    %c0_i32_1 = arith.constant 0 : i32
    return %c0_i32, %c0_i32_0 : i32, i32
  }
  func.func @transform_3(%arg0: i32) -> (i32, i32) {
    %c0_i32 = arith.constant 0 : i32
    %c0_i32_0 = arith.constant 0 : i32
    %c0_i32_1 = arith.constant 0 : i32
    return %c0_i32, %c0_i32_0 : i32, i32
  }
  func.func @transform_4(%arg0: i32) -> (i32, i32) {
    %c0_i32 = arith.constant 0 : i32
    %c0_i32_0 = arith.constant 0 : i32
    return %arg0, %c0_i32 : i32, i32
  }
}

module attributes {stable_mosaic.version = 14 : i64} {
  func.func @_k4_body(%arg0: i32, %arg1: memref<128x1xf32, #tpu.memory_space<vmem>>, %arg2: memref<128x1xf32, #tpu.memory_space<vmem>>, %arg3: memref<128x10x256xf32, #tpu.memory_space<vmem>>, %arg4: memref<128x10xi32, #tpu.memory_space<vmem>>, %arg5: memref<128x8xi32, #tpu.memory_space<vmem>>) attributes {dimension_semantics = [#tpu.dimension_semantics<arbitrary>], iteration_bounds = array<i64: 8>, scalar_prefetch = 0 : i64, scratch_operands = 0 : i64, tpu.core_type = #tpu.core_type<tc>, window_params = [{transform_indices = @transform_0, window_bounds = array<i64: 128, 1>}, {transform_indices = @transform_1, window_bounds = array<i64: 128, 1>}, {transform_indices = @transform_2, window_bounds = array<i64: 128, 10, 256>}, {transform_indices = @transform_3, window_bounds = array<i64: 128, 10>}, {transform_indices = @transform_4, window_bounds = array<i64: 128, 8>}]} {
    %get3A = arith.constant 0 : index
    %get3A_0 = arith.constant 0 : index
    %get3A_1 = vector.load %arg1[%get3A, %get3A_0] : memref<128x1xf32, #tpu.memory_space<vmem>>, vector<128x1xf32>
    %get3A_2 = arith.constant 0 : index
    %get3A_3 = arith.constant 0 : index
    %get3A_4 = vector.load %arg2[%get3A_2, %get3A_3] : memref<128x1xf32, #tpu.memory_space<vmem>>, vector<128x1xf32>
    %get3A_5 = arith.constant 0 : index
    %get3A_6 = arith.constant 0 : index
    %get3A_7 = vector.load %arg4[%get3A_5, %get3A_6] : memref<128x10xi32, #tpu.memory_space<vmem>>, vector<128x10xi32>
    %iota3A = tpu.iota {dimensions = array<i32: 1>} : vector<128x128xi32>
    %get3A_8 = arith.constant 0 : index
    %get3A_9 = arith.constant 0 : index
    %get3A_10 = arith.constant 0 : index
    %get3A_11 = vector.load %arg3[%get3A_8, %get3A_9, %get3A_10] : memref<128x10x256xf32, #tpu.memory_space<vmem>>, vector<128x1x128xf32>
    %get3A_12 = vector.shape_cast %get3A_11 : vector<128x1x128xf32> to vector<128x128xf32>
    %get3A_13 = arith.constant 0 : index
    %get3A_14 = arith.constant 0 : index
    %get3A_15 = arith.constant 128 : index
    %get3A_16 = vector.load %arg3[%get3A_13, %get3A_14, %get3A_15] : memref<128x10x256xf32, #tpu.memory_space<vmem>>, vector<128x1x128xf32>
    %get3A_17 = vector.shape_cast %get3A_16 : vector<128x1x128xf32> to vector<128x128xf32>
    %sub3A = vector.broadcast %get3A_1 : vector<128x1xf32> to vector<128x128xf32>
    %sub3A_18 = arith.subf %sub3A, %get3A_12 : vector<128x128xf32>
    %sub3A_19 = vector.broadcast %get3A_4 : vector<128x1xf32> to vector<128x128xf32>
    %sub3A_20 = arith.subf %sub3A_19, %get3A_17 : vector<128x128xf32>
    %mul3A = arith.mulf %sub3A_18, %sub3A_18 : vector<128x128xf32>
    %mul3A_21 = arith.mulf %sub3A_20, %sub3A_20 : vector<128x128xf32>
    %add3A = arith.addf %mul3A, %mul3A_21 : vector<128x128xf32>
    %slice3A = vector.extract_strided_slice %get3A_7 {offsets = [0, 0], sizes = [128, 1], strides = [1, 1]} : vector<128x10xi32> to vector<128x1xi32>
    %mul3A_22 = arith.constant 512 : i32
    %mul3A_23 = vector.broadcast %mul3A_22 : i32 to vector<128x128xi32>
    %mul3A_24 = arith.muli %iota3A, %mul3A_23 : vector<128x128xi32>
    %add3A_25 = vector.broadcast %slice3A : vector<128x1xi32> to vector<128x128xi32>
    %add3A_26 = arith.addi %add3A_25, %mul3A_24 : vector<128x128xi32>
    %get3A_27 = arith.constant 0 : index
    %get3A_28 = arith.constant 1 : index
    %get3A_29 = arith.constant 0 : index
    %get3A_30 = vector.load %arg3[%get3A_27, %get3A_28, %get3A_29] : memref<128x10x256xf32, #tpu.memory_space<vmem>>, vector<128x1x128xf32>
    %get3A_31 = vector.shape_cast %get3A_30 : vector<128x1x128xf32> to vector<128x128xf32>
    %get3A_32 = arith.constant 0 : index
    %get3A_33 = arith.constant 1 : index
    %get3A_34 = arith.constant 128 : index
    %get3A_35 = vector.load %arg3[%get3A_32, %get3A_33, %get3A_34] : memref<128x10x256xf32, #tpu.memory_space<vmem>>, vector<128x1x128xf32>
    %get3A_36 = vector.shape_cast %get3A_35 : vector<128x1x128xf32> to vector<128x128xf32>
    %sub3A_37 = vector.broadcast %get3A_1 : vector<128x1xf32> to vector<128x128xf32>
    %sub3A_38 = arith.subf %sub3A_37, %get3A_31 : vector<128x128xf32>
    %sub3A_39 = vector.broadcast %get3A_4 : vector<128x1xf32> to vector<128x128xf32>
    %sub3A_40 = arith.subf %sub3A_39, %get3A_36 : vector<128x128xf32>
    %mul3A_41 = arith.mulf %sub3A_38, %sub3A_38 : vector<128x128xf32>
    %mul3A_42 = arith.mulf %sub3A_40, %sub3A_40 : vector<128x128xf32>
    %add3A_43 = arith.addf %mul3A_41, %mul3A_42 : vector<128x128xf32>
    %slice3A_44 = vector.extract_strided_slice %get3A_7 {offsets = [0, 1], sizes = [128, 1], strides = [1, 1]} : vector<128x10xi32> to vector<128x1xi32>
    %mul3A_45 = arith.constant 512 : i32
    %mul3A_46 = vector.broadcast %mul3A_45 : i32 to vector<128x128xi32>
    %mul3A_47 = arith.muli %iota3A, %mul3A_46 : vector<128x128xi32>
    %add3A_48 = vector.broadcast %slice3A_44 : vector<128x1xi32> to vector<128x128xi32>
    %add3A_49 = arith.addi %add3A_48, %mul3A_47 : vector<128x128xi32>
    %get3A_50 = arith.constant 0 : index
    %get3A_51 = arith.constant 2 : index
    %get3A_52 = arith.constant 0 : index
    %get3A_53 = vector.load %arg3[%get3A_50, %get3A_51, %get3A_52] : memref<128x10x256xf32, #tpu.memory_space<vmem>>, vector<128x1x128xf32>
    %get3A_54 = vector.shape_cast %get3A_53 : vector<128x1x128xf32> to vector<128x128xf32>
    %get3A_55 = arith.constant 0 : index
    %get3A_56 = arith.constant 2 : index
    %get3A_57 = arith.constant 128 : index
    %get3A_58 = vector.load %arg3[%get3A_55, %get3A_56, %get3A_57] : memref<128x10x256xf32, #tpu.memory_space<vmem>>, vector<128x1x128xf32>
    %get3A_59 = vector.shape_cast %get3A_58 : vector<128x1x128xf32> to vector<128x128xf32>
    %sub3A_60 = vector.broadcast %get3A_1 : vector<128x1xf32> to vector<128x128xf32>
    %sub3A_61 = arith.subf %sub3A_60, %get3A_54 : vector<128x128xf32>
    %sub3A_62 = vector.broadcast %get3A_4 : vector<128x1xf32> to vector<128x128xf32>
    %sub3A_63 = arith.subf %sub3A_62, %get3A_59 : vector<128x128xf32>
    %mul3A_64 = arith.mulf %sub3A_61, %sub3A_61 : vector<128x128xf32>
    %mul3A_65 = arith.mulf %sub3A_63, %sub3A_63 : vector<128x128xf32>
    %add3A_66 = arith.addf %mul3A_64, %mul3A_65 : vector<128x128xf32>
    %slice3A_67 = vector.extract_strided_slice %get3A_7 {offsets = [0, 2], sizes = [128, 1], strides = [1, 1]} : vector<128x10xi32> to vector<128x1xi32>
    %mul3A_68 = arith.constant 512 : i32
    %mul3A_69 = vector.broadcast %mul3A_68 : i32 to vector<128x128xi32>
    %mul3A_70 = arith.muli %iota3A, %mul3A_69 : vector<128x128xi32>
    %add3A_71 = vector.broadcast %slice3A_67 : vector<128x1xi32> to vector<128x128xi32>
    %add3A_72 = arith.addi %add3A_71, %mul3A_70 : vector<128x128xi32>
    %get3A_73 = arith.constant 0 : index
    %get3A_74 = arith.constant 3 : index
    %get3A_75 = arith.constant 0 : index
    %get3A_76 = vector.load %arg3[%get3A_73, %get3A_74, %get3A_75] : memref<128x10x256xf32, #tpu.memory_space<vmem>>, vector<128x1x128xf32>
    %get3A_77 = vector.shape_cast %get3A_76 : vector<128x1x128xf32> to vector<128x128xf32>
    %get3A_78 = arith.constant 0 : index
    %get3A_79 = arith.constant 3 : index
    %get3A_80 = arith.constant 128 : index
    %get3A_81 = vector.load %arg3[%get3A_78, %get3A_79, %get3A_80] : memref<128x10x256xf32, #tpu.memory_space<vmem>>, vector<128x1x128xf32>
    %get3A_82 = vector.shape_cast %get3A_81 : vector<128x1x128xf32> to vector<128x128xf32>
    %sub3A_83 = vector.broadcast %get3A_1 : vector<128x1xf32> to vector<128x128xf32>
    %sub3A_84 = arith.subf %sub3A_83, %get3A_77 : vector<128x128xf32>
    %sub3A_85 = vector.broadcast %get3A_4 : vector<128x1xf32> to vector<128x128xf32>
    %sub3A_86 = arith.subf %sub3A_85, %get3A_82 : vector<128x128xf32>
    %mul3A_87 = arith.mulf %sub3A_84, %sub3A_84 : vector<128x128xf32>
    %mul3A_88 = arith.mulf %sub3A_86, %sub3A_86 : vector<128x128xf32>
    %add3A_89 = arith.addf %mul3A_87, %mul3A_88 : vector<128x128xf32>
    %slice3A_90 = vector.extract_strided_slice %get3A_7 {offsets = [0, 3], sizes = [128, 1], strides = [1, 1]} : vector<128x10xi32> to vector<128x1xi32>
    %mul3A_91 = arith.constant 512 : i32
    %mul3A_92 = vector.broadcast %mul3A_91 : i32 to vector<128x128xi32>
    %mul3A_93 = arith.muli %iota3A, %mul3A_92 : vector<128x128xi32>
    %add3A_94 = vector.broadcast %slice3A_90 : vector<128x1xi32> to vector<128x128xi32>
    %add3A_95 = arith.addi %add3A_94, %mul3A_93 : vector<128x128xi32>
    %get3A_96 = arith.constant 0 : index
    %get3A_97 = arith.constant 4 : index
    %get3A_98 = arith.constant 0 : index
    %get3A_99 = vector.load %arg3[%get3A_96, %get3A_97, %get3A_98] : memref<128x10x256xf32, #tpu.memory_space<vmem>>, vector<128x1x128xf32>
    %get3A_100 = vector.shape_cast %get3A_99 : vector<128x1x128xf32> to vector<128x128xf32>
    %get3A_101 = arith.constant 0 : index
    %get3A_102 = arith.constant 4 : index
    %get3A_103 = arith.constant 128 : index
    %get3A_104 = vector.load %arg3[%get3A_101, %get3A_102, %get3A_103] : memref<128x10x256xf32, #tpu.memory_space<vmem>>, vector<128x1x128xf32>
    %get3A_105 = vector.shape_cast %get3A_104 : vector<128x1x128xf32> to vector<128x128xf32>
    %sub3A_106 = vector.broadcast %get3A_1 : vector<128x1xf32> to vector<128x128xf32>
    %sub3A_107 = arith.subf %sub3A_106, %get3A_100 : vector<128x128xf32>
    %sub3A_108 = vector.broadcast %get3A_4 : vector<128x1xf32> to vector<128x128xf32>
    %sub3A_109 = arith.subf %sub3A_108, %get3A_105 : vector<128x128xf32>
    %mul3A_110 = arith.mulf %sub3A_107, %sub3A_107 : vector<128x128xf32>
    %mul3A_111 = arith.mulf %sub3A_109, %sub3A_109 : vector<128x128xf32>
    %add3A_112 = arith.addf %mul3A_110, %mul3A_111 : vector<128x128xf32>
    %slice3A_113 = vector.extract_strided_slice %get3A_7 {offsets = [0, 4], sizes = [128, 1], strides = [1, 1]} : vector<128x10xi32> to vector<128x1xi32>
    %mul3A_114 = arith.constant 512 : i32
    %mul3A_115 = vector.broadcast %mul3A_114 : i32 to vector<128x128xi32>
    %mul3A_116 = arith.muli %iota3A, %mul3A_115 : vector<128x128xi32>
    %add3A_117 = vector.broadcast %slice3A_113 : vector<128x1xi32> to vector<128x128xi32>
    %add3A_118 = arith.addi %add3A_117, %mul3A_116 : vector<128x128xi32>
    %get3A_119 = arith.constant 0 : index
    %get3A_120 = arith.constant 5 : index
    %get3A_121 = arith.constant 0 : index
    %get3A_122 = vector.load %arg3[%get3A_119, %get3A_120, %get3A_121] : memref<128x10x256xf32, #tpu.memory_space<vmem>>, vector<128x1x128xf32>
    %get3A_123 = vector.shape_cast %get3A_122 : vector<128x1x128xf32> to vector<128x128xf32>
    %get3A_124 = arith.constant 0 : index
    %get3A_125 = arith.constant 5 : index
    %get3A_126 = arith.constant 128 : index
    %get3A_127 = vector.load %arg3[%get3A_124, %get3A_125, %get3A_126] : memref<128x10x256xf32, #tpu.memory_space<vmem>>, vector<128x1x128xf32>
    %get3A_128 = vector.shape_cast %get3A_127 : vector<128x1x128xf32> to vector<128x128xf32>
    %sub3A_129 = vector.broadcast %get3A_1 : vector<128x1xf32> to vector<128x128xf32>
    %sub3A_130 = arith.subf %sub3A_129, %get3A_123 : vector<128x128xf32>
    %sub3A_131 = vector.broadcast %get3A_4 : vector<128x1xf32> to vector<128x128xf32>
    %sub3A_132 = arith.subf %sub3A_131, %get3A_128 : vector<128x128xf32>
    %mul3A_133 = arith.mulf %sub3A_130, %sub3A_130 : vector<128x128xf32>
    %mul3A_134 = arith.mulf %sub3A_132, %sub3A_132 : vector<128x128xf32>
    %add3A_135 = arith.addf %mul3A_133, %mul3A_134 : vector<128x128xf32>
    %slice3A_136 = vector.extract_strided_slice %get3A_7 {offsets = [0, 5], sizes = [128, 1], strides = [1, 1]} : vector<128x10xi32> to vector<128x1xi32>
    %mul3A_137 = arith.constant 512 : i32
    %mul3A_138 = vector.broadcast %mul3A_137 : i32 to vector<128x128xi32>
    %mul3A_139 = arith.muli %iota3A, %mul3A_138 : vector<128x128xi32>
    %add3A_140 = vector.broadcast %slice3A_136 : vector<128x1xi32> to vector<128x128xi32>
    %add3A_141 = arith.addi %add3A_140, %mul3A_139 : vector<128x128xi32>
    %get3A_142 = arith.constant 0 : index
    %get3A_143 = arith.constant 6 : index
    %get3A_144 = arith.constant 0 : index
    %get3A_145 = vector.load %arg3[%get3A_142, %get3A_143, %get3A_144] : memref<128x10x256xf32, #tpu.memory_space<vmem>>, vector<128x1x128xf32>
    %get3A_146 = vector.shape_cast %get3A_145 : vector<128x1x128xf32> to vector<128x128xf32>
    %get3A_147 = arith.constant 0 : index
    %get3A_148 = arith.constant 6 : index
    %get3A_149 = arith.constant 128 : index
    %get3A_150 = vector.load %arg3[%get3A_147, %get3A_148, %get3A_149] : memref<128x10x256xf32, #tpu.memory_space<vmem>>, vector<128x1x128xf32>
    %get3A_151 = vector.shape_cast %get3A_150 : vector<128x1x128xf32> to vector<128x128xf32>
    %sub3A_152 = vector.broadcast %get3A_1 : vector<128x1xf32> to vector<128x128xf32>
    %sub3A_153 = arith.subf %sub3A_152, %get3A_146 : vector<128x128xf32>
    %sub3A_154 = vector.broadcast %get3A_4 : vector<128x1xf32> to vector<128x128xf32>
    %sub3A_155 = arith.subf %sub3A_154, %get3A_151 : vector<128x128xf32>
    %mul3A_156 = arith.mulf %sub3A_153, %sub3A_153 : vector<128x128xf32>
    %mul3A_157 = arith.mulf %sub3A_155, %sub3A_155 : vector<128x128xf32>
    %add3A_158 = arith.addf %mul3A_156, %mul3A_157 : vector<128x128xf32>
    %slice3A_159 = vector.extract_strided_slice %get3A_7 {offsets = [0, 6], sizes = [128, 1], strides = [1, 1]} : vector<128x10xi32> to vector<128x1xi32>
    %mul3A_160 = arith.constant 512 : i32
    %mul3A_161 = vector.broadcast %mul3A_160 : i32 to vector<128x128xi32>
    %mul3A_162 = arith.muli %iota3A, %mul3A_161 : vector<128x128xi32>
    %add3A_163 = vector.broadcast %slice3A_159 : vector<128x1xi32> to vector<128x128xi32>
    %add3A_164 = arith.addi %add3A_163, %mul3A_162 : vector<128x128xi32>
    %get3A_165 = arith.constant 0 : index
    %get3A_166 = arith.constant 7 : index
    %get3A_167 = arith.constant 0 : index
    %get3A_168 = vector.load %arg3[%get3A_165, %get3A_166, %get3A_167] : memref<128x10x256xf32, #tpu.memory_space<vmem>>, vector<128x1x128xf32>
    %get3A_169 = vector.shape_cast %get3A_168 : vector<128x1x128xf32> to vector<128x128xf32>
    %get3A_170 = arith.constant 0 : index
    %get3A_171 = arith.constant 7 : index
    %get3A_172 = arith.constant 128 : index
    %get3A_173 = vector.load %arg3[%get3A_170, %get3A_171, %get3A_172] : memref<128x10x256xf32, #tpu.memory_space<vmem>>, vector<128x1x128xf32>
    %get3A_174 = vector.shape_cast %get3A_173 : vector<128x1x128xf32> to vector<128x128xf32>
    %sub3A_175 = vector.broadcast %get3A_1 : vector<128x1xf32> to vector<128x128xf32>
    %sub3A_176 = arith.subf %sub3A_175, %get3A_169 : vector<128x128xf32>
    %sub3A_177 = vector.broadcast %get3A_4 : vector<128x1xf32> to vector<128x128xf32>
    %sub3A_178 = arith.subf %sub3A_177, %get3A_174 : vector<128x128xf32>
    %mul3A_179 = arith.mulf %sub3A_176, %sub3A_176 : vector<128x128xf32>
    %mul3A_180 = arith.mulf %sub3A_178, %sub3A_178 : vector<128x128xf32>
    %add3A_181 = arith.addf %mul3A_179, %mul3A_180 : vector<128x128xf32>
    %slice3A_182 = vector.extract_strided_slice %get3A_7 {offsets = [0, 7], sizes = [128, 1], strides = [1, 1]} : vector<128x10xi32> to vector<128x1xi32>
    %mul3A_183 = arith.constant 512 : i32
    %mul3A_184 = vector.broadcast %mul3A_183 : i32 to vector<128x128xi32>
    %mul3A_185 = arith.muli %iota3A, %mul3A_184 : vector<128x128xi32>
    %add3A_186 = vector.broadcast %slice3A_182 : vector<128x1xi32> to vector<128x128xi32>
    %add3A_187 = arith.addi %add3A_186, %mul3A_185 : vector<128x128xi32>
    %get3A_188 = arith.constant 0 : index
    %get3A_189 = arith.constant 8 : index
    %get3A_190 = arith.constant 0 : index
    %get3A_191 = vector.load %arg3[%get3A_188, %get3A_189, %get3A_190] : memref<128x10x256xf32, #tpu.memory_space<vmem>>, vector<128x1x128xf32>
    %get3A_192 = vector.shape_cast %get3A_191 : vector<128x1x128xf32> to vector<128x128xf32>
    %get3A_193 = arith.constant 0 : index
    %get3A_194 = arith.constant 8 : index
    %get3A_195 = arith.constant 128 : index
    %get3A_196 = vector.load %arg3[%get3A_193, %get3A_194, %get3A_195] : memref<128x10x256xf32, #tpu.memory_space<vmem>>, vector<128x1x128xf32>
    %get3A_197 = vector.shape_cast %get3A_196 : vector<128x1x128xf32> to vector<128x128xf32>
    %sub3A_198 = vector.broadcast %get3A_1 : vector<128x1xf32> to vector<128x128xf32>
    %sub3A_199 = arith.subf %sub3A_198, %get3A_192 : vector<128x128xf32>
    %sub3A_200 = vector.broadcast %get3A_4 : vector<128x1xf32> to vector<128x128xf32>
    %sub3A_201 = arith.subf %sub3A_200, %get3A_197 : vector<128x128xf32>
    %mul3A_202 = arith.mulf %sub3A_199, %sub3A_199 : vector<128x128xf32>
    %mul3A_203 = arith.mulf %sub3A_201, %sub3A_201 : vector<128x128xf32>
    %add3A_204 = arith.addf %mul3A_202, %mul3A_203 : vector<128x128xf32>
    %slice3A_205 = vector.extract_strided_slice %get3A_7 {offsets = [0, 8], sizes = [128, 1], strides = [1, 1]} : vector<128x10xi32> to vector<128x1xi32>
    %mul3A_206 = arith.constant 512 : i32
    %mul3A_207 = vector.broadcast %mul3A_206 : i32 to vector<128x128xi32>
    %mul3A_208 = arith.muli %iota3A, %mul3A_207 : vector<128x128xi32>
    %add3A_209 = vector.broadcast %slice3A_205 : vector<128x1xi32> to vector<128x128xi32>
    %add3A_210 = arith.addi %add3A_209, %mul3A_208 : vector<128x128xi32>
    %get3A_211 = arith.constant 0 : index
    %get3A_212 = arith.constant 9 : index
    %get3A_213 = arith.constant 0 : index
    %get3A_214 = vector.load %arg3[%get3A_211, %get3A_212, %get3A_213] : memref<128x10x256xf32, #tpu.memory_space<vmem>>, vector<128x1x128xf32>
    %get3A_215 = vector.shape_cast %get3A_214 : vector<128x1x128xf32> to vector<128x128xf32>
    %get3A_216 = arith.constant 0 : index
    %get3A_217 = arith.constant 9 : index
    %get3A_218 = arith.constant 128 : index
    %get3A_219 = vector.load %arg3[%get3A_216, %get3A_217, %get3A_218] : memref<128x10x256xf32, #tpu.memory_space<vmem>>, vector<128x1x128xf32>
    %get3A_220 = vector.shape_cast %get3A_219 : vector<128x1x128xf32> to vector<128x128xf32>
    %sub3A_221 = vector.broadcast %get3A_1 : vector<128x1xf32> to vector<128x128xf32>
    %sub3A_222 = arith.subf %sub3A_221, %get3A_215 : vector<128x128xf32>
    %sub3A_223 = vector.broadcast %get3A_4 : vector<128x1xf32> to vector<128x128xf32>
    %sub3A_224 = arith.subf %sub3A_223, %get3A_220 : vector<128x128xf32>
    %mul3A_225 = arith.mulf %sub3A_222, %sub3A_222 : vector<128x128xf32>
    %mul3A_226 = arith.mulf %sub3A_224, %sub3A_224 : vector<128x128xf32>
    %add3A_227 = arith.addf %mul3A_225, %mul3A_226 : vector<128x128xf32>
    %slice3A_228 = vector.extract_strided_slice %get3A_7 {offsets = [0, 9], sizes = [128, 1], strides = [1, 1]} : vector<128x10xi32> to vector<128x1xi32>
    %mul3A_229 = arith.constant 512 : i32
    %mul3A_230 = vector.broadcast %mul3A_229 : i32 to vector<128x128xi32>
    %mul3A_231 = arith.muli %iota3A, %mul3A_230 : vector<128x128xi32>
    %add3A_232 = vector.broadcast %slice3A_228 : vector<128x1xi32> to vector<128x128xi32>
    %add3A_233 = arith.addi %add3A_232, %mul3A_231 : vector<128x128xi32>
    %concatenate3A = tpu.concatenate %add3A, %add3A_43, %add3A_66, %add3A_89, %add3A_112, %add3A_135, %add3A_158, %add3A_181, %add3A_204, %add3A_227 in 1 : vector<128x128xf32>, vector<128x128xf32>, vector<128x128xf32>, vector<128x128xf32>, vector<128x128xf32>, vector<128x128xf32>, vector<128x128xf32>, vector<128x128xf32>, vector<128x128xf32>, vector<128x128xf32> -> vector<128x1280xf32>
    %concatenate3A_234 = tpu.concatenate %add3A_26, %add3A_49, %add3A_72, %add3A_95, %add3A_118, %add3A_141, %add3A_164, %add3A_187, %add3A_210, %add3A_233 in 1 : vector<128x128xi32>, vector<128x128xi32>, vector<128x128xi32>, vector<128x128xi32>, vector<128x128xi32>, vector<128x128xi32>, vector<128x128xi32>, vector<128x128xi32>, vector<128x128xi32>, vector<128x128xi32> -> vector<128x1280xi32>
    %reduce_min3A = arith.constant dense<0x7F800000> : vector<128xf32>
    %reduce_min3A_235 = vector.multi_reduction <minimumf>, %concatenate3A, %reduce_min3A [1] : vector<128x1280xf32> to vector<128xf32>
    %broadcast_in_dim3A = vector.shape_cast %reduce_min3A_235 : vector<128xf32> to vector<128x1xf32>
    %eq3A = vector.broadcast %broadcast_in_dim3A : vector<128x1xf32> to vector<128x1280xf32>
    %eq3A_236 = arith.cmpf oeq, %concatenate3A, %eq3A : vector<128x1280xf32>
    %jit3A = arith.constant 2147483647 : i32
    %broadcast_in_dim3A_237 = vector.broadcast %jit3A : i32 to vector<128x1280xi32>
    %select_n3A = arith.select %eq3A_236, %concatenate3A_234, %broadcast_in_dim3A_237 : vector<128x1280xi1>, vector<128x1280xi32>
    %reduce_min3A_238 = arith.constant dense<2147483647> : vector<128xi32>
    %reduce_min3A_239 = vector.multi_reduction <minsi>, %select_n3A, %reduce_min3A_238 [1] : vector<128x1280xi32> to vector<128xi32>
    %broadcast_in_dim3A_240 = vector.shape_cast %reduce_min3A_239 : vector<128xi32> to vector<128x1xi32>
    %eq3A_241 = vector.broadcast %broadcast_in_dim3A_240 : vector<128x1xi32> to vector<128x1280xi32>
    %eq3A_242 = arith.cmpi eq, %concatenate3A_234, %eq3A_241 : vector<128x1280xi32>
    %jit3A_243 = arith.constant 0x7F800000 : f32
    %broadcast_in_dim3A_244 = vector.broadcast %jit3A_243 : f32 to vector<128x1280xf32>
    %select_n3A_245 = arith.select %eq3A_242, %broadcast_in_dim3A_244, %concatenate3A : vector<128x1280xi1>, vector<128x1280xf32>
    %reduce_min3A_246 = arith.constant dense<0x7F800000> : vector<128xf32>
    %reduce_min3A_247 = vector.multi_reduction <minimumf>, %select_n3A_245, %reduce_min3A_246 [1] : vector<128x1280xf32> to vector<128xf32>
    %broadcast_in_dim3A_248 = vector.shape_cast %reduce_min3A_247 : vector<128xf32> to vector<128x1xf32>
    %eq3A_249 = vector.broadcast %broadcast_in_dim3A_248 : vector<128x1xf32> to vector<128x1280xf32>
    %eq3A_250 = arith.cmpf oeq, %select_n3A_245, %eq3A_249 : vector<128x1280xf32>
    %jit3A_251 = arith.constant 2147483647 : i32
    %broadcast_in_dim3A_252 = vector.broadcast %jit3A_251 : i32 to vector<128x1280xi32>
    %select_n3A_253 = arith.select %eq3A_250, %concatenate3A_234, %broadcast_in_dim3A_252 : vector<128x1280xi1>, vector<128x1280xi32>
    %reduce_min3A_254 = arith.constant dense<2147483647> : vector<128xi32>
    %reduce_min3A_255 = vector.multi_reduction <minsi>, %select_n3A_253, %reduce_min3A_254 [1] : vector<128x1280xi32> to vector<128xi32>
    %broadcast_in_dim3A_256 = vector.shape_cast %reduce_min3A_255 : vector<128xi32> to vector<128x1xi32>
    %eq3A_257 = vector.broadcast %broadcast_in_dim3A_256 : vector<128x1xi32> to vector<128x1280xi32>
    %eq3A_258 = arith.cmpi eq, %concatenate3A_234, %eq3A_257 : vector<128x1280xi32>
    %jit3A_259 = arith.constant 0x7F800000 : f32
    %broadcast_in_dim3A_260 = vector.broadcast %jit3A_259 : f32 to vector<128x1280xf32>
    %select_n3A_261 = arith.select %eq3A_258, %broadcast_in_dim3A_260, %select_n3A_245 : vector<128x1280xi1>, vector<128x1280xf32>
    %reduce_min3A_262 = arith.constant dense<0x7F800000> : vector<128xf32>
    %reduce_min3A_263 = vector.multi_reduction <minimumf>, %select_n3A_261, %reduce_min3A_262 [1] : vector<128x1280xf32> to vector<128xf32>
    %broadcast_in_dim3A_264 = vector.shape_cast %reduce_min3A_263 : vector<128xf32> to vector<128x1xf32>
    %eq3A_265 = vector.broadcast %broadcast_in_dim3A_264 : vector<128x1xf32> to vector<128x1280xf32>
    %eq3A_266 = arith.cmpf oeq, %select_n3A_261, %eq3A_265 : vector<128x1280xf32>
    %jit3A_267 = arith.constant 2147483647 : i32
    %broadcast_in_dim3A_268 = vector.broadcast %jit3A_267 : i32 to vector<128x1280xi32>
    %select_n3A_269 = arith.select %eq3A_266, %concatenate3A_234, %broadcast_in_dim3A_268 : vector<128x1280xi1>, vector<128x1280xi32>
    %reduce_min3A_270 = arith.constant dense<2147483647> : vector<128xi32>
    %reduce_min3A_271 = vector.multi_reduction <minsi>, %select_n3A_269, %reduce_min3A_270 [1] : vector<128x1280xi32> to vector<128xi32>
    %broadcast_in_dim3A_272 = vector.shape_cast %reduce_min3A_271 : vector<128xi32> to vector<128x1xi32>
    %eq3A_273 = vector.broadcast %broadcast_in_dim3A_272 : vector<128x1xi32> to vector<128x1280xi32>
    %eq3A_274 = arith.cmpi eq, %concatenate3A_234, %eq3A_273 : vector<128x1280xi32>
    %jit3A_275 = arith.constant 0x7F800000 : f32
    %broadcast_in_dim3A_276 = vector.broadcast %jit3A_275 : f32 to vector<128x1280xf32>
    %select_n3A_277 = arith.select %eq3A_274, %broadcast_in_dim3A_276, %select_n3A_261 : vector<128x1280xi1>, vector<128x1280xf32>
    %reduce_min3A_278 = arith.constant dense<0x7F800000> : vector<128xf32>
    %reduce_min3A_279 = vector.multi_reduction <minimumf>, %select_n3A_277, %reduce_min3A_278 [1] : vector<128x1280xf32> to vector<128xf32>
    %broadcast_in_dim3A_280 = vector.shape_cast %reduce_min3A_279 : vector<128xf32> to vector<128x1xf32>
    %eq3A_281 = vector.broadcast %broadcast_in_dim3A_280 : vector<128x1xf32> to vector<128x1280xf32>
    %eq3A_282 = arith.cmpf oeq, %select_n3A_277, %eq3A_281 : vector<128x1280xf32>
    %jit3A_283 = arith.constant 2147483647 : i32
    %broadcast_in_dim3A_284 = vector.broadcast %jit3A_283 : i32 to vector<128x1280xi32>
    %select_n3A_285 = arith.select %eq3A_282, %concatenate3A_234, %broadcast_in_dim3A_284 : vector<128x1280xi1>, vector<128x1280xi32>
    %reduce_min3A_286 = arith.constant dense<2147483647> : vector<128xi32>
    %reduce_min3A_287 = vector.multi_reduction <minsi>, %select_n3A_285, %reduce_min3A_286 [1] : vector<128x1280xi32> to vector<128xi32>
    %broadcast_in_dim3A_288 = vector.shape_cast %reduce_min3A_287 : vector<128xi32> to vector<128x1xi32>
    %eq3A_289 = vector.broadcast %broadcast_in_dim3A_288 : vector<128x1xi32> to vector<128x1280xi32>
    %eq3A_290 = arith.cmpi eq, %concatenate3A_234, %eq3A_289 : vector<128x1280xi32>
    %jit3A_291 = arith.constant 0x7F800000 : f32
    %broadcast_in_dim3A_292 = vector.broadcast %jit3A_291 : f32 to vector<128x1280xf32>
    %select_n3A_293 = arith.select %eq3A_290, %broadcast_in_dim3A_292, %select_n3A_277 : vector<128x1280xi1>, vector<128x1280xf32>
    %reduce_min3A_294 = arith.constant dense<0x7F800000> : vector<128xf32>
    %reduce_min3A_295 = vector.multi_reduction <minimumf>, %select_n3A_293, %reduce_min3A_294 [1] : vector<128x1280xf32> to vector<128xf32>
    %broadcast_in_dim3A_296 = vector.shape_cast %reduce_min3A_295 : vector<128xf32> to vector<128x1xf32>
    %eq3A_297 = vector.broadcast %broadcast_in_dim3A_296 : vector<128x1xf32> to vector<128x1280xf32>
    %eq3A_298 = arith.cmpf oeq, %select_n3A_293, %eq3A_297 : vector<128x1280xf32>
    %jit3A_299 = arith.constant 2147483647 : i32
    %broadcast_in_dim3A_300 = vector.broadcast %jit3A_299 : i32 to vector<128x1280xi32>
    %select_n3A_301 = arith.select %eq3A_298, %concatenate3A_234, %broadcast_in_dim3A_300 : vector<128x1280xi1>, vector<128x1280xi32>
    %reduce_min3A_302 = arith.constant dense<2147483647> : vector<128xi32>
    %reduce_min3A_303 = vector.multi_reduction <minsi>, %select_n3A_301, %reduce_min3A_302 [1] : vector<128x1280xi32> to vector<128xi32>
    %broadcast_in_dim3A_304 = vector.shape_cast %reduce_min3A_303 : vector<128xi32> to vector<128x1xi32>
    %eq3A_305 = vector.broadcast %broadcast_in_dim3A_304 : vector<128x1xi32> to vector<128x1280xi32>
    %eq3A_306 = arith.cmpi eq, %concatenate3A_234, %eq3A_305 : vector<128x1280xi32>
    %jit3A_307 = arith.constant 0x7F800000 : f32
    %broadcast_in_dim3A_308 = vector.broadcast %jit3A_307 : f32 to vector<128x1280xf32>
    %select_n3A_309 = arith.select %eq3A_306, %broadcast_in_dim3A_308, %select_n3A_293 : vector<128x1280xi1>, vector<128x1280xf32>
    %reduce_min3A_310 = arith.constant dense<0x7F800000> : vector<128xf32>
    %reduce_min3A_311 = vector.multi_reduction <minimumf>, %select_n3A_309, %reduce_min3A_310 [1] : vector<128x1280xf32> to vector<128xf32>
    %broadcast_in_dim3A_312 = vector.shape_cast %reduce_min3A_311 : vector<128xf32> to vector<128x1xf32>
    %eq3A_313 = vector.broadcast %broadcast_in_dim3A_312 : vector<128x1xf32> to vector<128x1280xf32>
    %eq3A_314 = arith.cmpf oeq, %select_n3A_309, %eq3A_313 : vector<128x1280xf32>
    %jit3A_315 = arith.constant 2147483647 : i32
    %broadcast_in_dim3A_316 = vector.broadcast %jit3A_315 : i32 to vector<128x1280xi32>
    %select_n3A_317 = arith.select %eq3A_314, %concatenate3A_234, %broadcast_in_dim3A_316 : vector<128x1280xi1>, vector<128x1280xi32>
    %reduce_min3A_318 = arith.constant dense<2147483647> : vector<128xi32>
    %reduce_min3A_319 = vector.multi_reduction <minsi>, %select_n3A_317, %reduce_min3A_318 [1] : vector<128x1280xi32> to vector<128xi32>
    %broadcast_in_dim3A_320 = vector.shape_cast %reduce_min3A_319 : vector<128xi32> to vector<128x1xi32>
    %eq3A_321 = vector.broadcast %broadcast_in_dim3A_320 : vector<128x1xi32> to vector<128x1280xi32>
    %eq3A_322 = arith.cmpi eq, %concatenate3A_234, %eq3A_321 : vector<128x1280xi32>
    %jit3A_323 = arith.constant 0x7F800000 : f32
    %broadcast_in_dim3A_324 = vector.broadcast %jit3A_323 : f32 to vector<128x1280xf32>
    %select_n3A_325 = arith.select %eq3A_322, %broadcast_in_dim3A_324, %select_n3A_309 : vector<128x1280xi1>, vector<128x1280xf32>
    %reduce_min3A_326 = arith.constant dense<0x7F800000> : vector<128xf32>
    %reduce_min3A_327 = vector.multi_reduction <minimumf>, %select_n3A_325, %reduce_min3A_326 [1] : vector<128x1280xf32> to vector<128xf32>
    %broadcast_in_dim3A_328 = vector.shape_cast %reduce_min3A_327 : vector<128xf32> to vector<128x1xf32>
    %eq3A_329 = vector.broadcast %broadcast_in_dim3A_328 : vector<128x1xf32> to vector<128x1280xf32>
    %eq3A_330 = arith.cmpf oeq, %select_n3A_325, %eq3A_329 : vector<128x1280xf32>
    %jit3A_331 = arith.constant 2147483647 : i32
    %broadcast_in_dim3A_332 = vector.broadcast %jit3A_331 : i32 to vector<128x1280xi32>
    %select_n3A_333 = arith.select %eq3A_330, %concatenate3A_234, %broadcast_in_dim3A_332 : vector<128x1280xi1>, vector<128x1280xi32>
    %reduce_min3A_334 = arith.constant dense<2147483647> : vector<128xi32>
    %reduce_min3A_335 = vector.multi_reduction <minsi>, %select_n3A_333, %reduce_min3A_334 [1] : vector<128x1280xi32> to vector<128xi32>
    %broadcast_in_dim3A_336 = vector.shape_cast %reduce_min3A_335 : vector<128xi32> to vector<128x1xi32>
    %eq3A_337 = vector.broadcast %broadcast_in_dim3A_336 : vector<128x1xi32> to vector<128x1280xi32>
    %eq3A_338 = arith.cmpi eq, %concatenate3A_234, %eq3A_337 : vector<128x1280xi32>
    %jit3A_339 = arith.constant 0x7F800000 : f32
    %broadcast_in_dim3A_340 = vector.broadcast %jit3A_339 : f32 to vector<128x1280xf32>
    %select_n3A_341 = arith.select %eq3A_338, %broadcast_in_dim3A_340, %select_n3A_325 : vector<128x1280xi1>, vector<128x1280xf32>
    %reduce_min3A_342 = arith.constant dense<0x7F800000> : vector<128xf32>
    %reduce_min3A_343 = vector.multi_reduction <minimumf>, %select_n3A_341, %reduce_min3A_342 [1] : vector<128x1280xf32> to vector<128xf32>
    %broadcast_in_dim3A_344 = vector.shape_cast %reduce_min3A_343 : vector<128xf32> to vector<128x1xf32>
    %eq3A_345 = vector.broadcast %broadcast_in_dim3A_344 : vector<128x1xf32> to vector<128x1280xf32>
    %eq3A_346 = arith.cmpf oeq, %select_n3A_341, %eq3A_345 : vector<128x1280xf32>
    %jit3A_347 = arith.constant 2147483647 : i32
    %broadcast_in_dim3A_348 = vector.broadcast %jit3A_347 : i32 to vector<128x1280xi32>
    %select_n3A_349 = arith.select %eq3A_346, %concatenate3A_234, %broadcast_in_dim3A_348 : vector<128x1280xi1>, vector<128x1280xi32>
    %reduce_min3A_350 = arith.constant dense<2147483647> : vector<128xi32>
    %reduce_min3A_351 = vector.multi_reduction <minsi>, %select_n3A_349, %reduce_min3A_350 [1] : vector<128x1280xi32> to vector<128xi32>
    %broadcast_in_dim3A_352 = vector.shape_cast %reduce_min3A_351 : vector<128xi32> to vector<128x1xi32>
    %concatenate3A_353 = tpu.concatenate %broadcast_in_dim3A_240, %broadcast_in_dim3A_256, %broadcast_in_dim3A_272, %broadcast_in_dim3A_288, %broadcast_in_dim3A_304, %broadcast_in_dim3A_320, %broadcast_in_dim3A_336, %broadcast_in_dim3A_352 in 1 : vector<128x1xi32>, vector<128x1xi32>, vector<128x1xi32>, vector<128x1xi32>, vector<128x1xi32>, vector<128x1xi32>, vector<128x1xi32>, vector<128x1xi32> -> vector<128x8xi32>
    %swap3A = arith.constant 0 : index
    %swap3A_354 = arith.constant 0 : index
    %swap3A_355 = vector.load %arg5[%swap3A, %swap3A_354] : memref<128x8xi32, #tpu.memory_space<vmem>>, vector<128x8xi32>
    tpu.vector_store %arg5[%swap3A, %swap3A_354], %concatenate3A_353 {strides = array<i32>} : memref<128x8xi32, #tpu.memory_space<vmem>>, vector<128x8xi32>,
    return
  }
  func.func @transform_0(%arg0: i32) -> (i32, i32) {
    %c0_i32 = arith.constant 0 : i32
    %c0_i32_0 = arith.constant 0 : i32
    return %arg0, %c0_i32 : i32, i32
  }
  func.func @transform_1(%arg0: i32) -> (i32, i32) {
    %c0_i32 = arith.constant 0 : i32
    %c0_i32_0 = arith.constant 0 : i32
    return %arg0, %c0_i32 : i32, i32
  }
  func.func @transform_2(%arg0: i32) -> (i32, i32, i32) {
    %c0_i32 = arith.constant 0 : i32
    %c0_i32_0 = arith.constant 0 : i32
    %c0_i32_1 = arith.constant 0 : i32
    return %arg0, %c0_i32, %c0_i32_0 : i32, i32, i32
  }
  func.func @transform_3(%arg0: i32) -> (i32, i32) {
    %c0_i32 = arith.constant 0 : i32
    %c0_i32_0 = arith.constant 0 : i32
    return %arg0, %c0_i32 : i32, i32
  }
  func.func @transform_4(%arg0: i32) -> (i32, i32) {
    %c0_i32 = arith.constant 0 : i32
    %c0_i32_0 = arith.constant 0 : i32
    return %arg0, %c0_i32 : i32, i32
  }
}

</mosaic_0001>

<sc_bundles>
// kernel: kernel.6.cloned.1.call-start
scs
__scs_entry_jumppad:
0x0: {  	(pc) =	sbr.rel $0x88, $3  }
0x1: {  	(tag) =	ssettag $0x0;
	lr =	simm.s32 $0x1  }
0x2: {  	[smem:$0x3F9C] =	sst lr;
	_ =	strace $0xD0000000  }
0x3: {  	_ = 	snop  }
0x4: {  	_ = 	snop  }
0x5: {  	_ = 	snop  }
0x6: {  	_ = 	snop  }
0x7: {  	_ = 	snop  }
__scs_overlays_trampoline_lowered:
0x8: {  	[smem:$0x3FAB] =	sst s0  }
0x9: {  	[smem:$0x3FAC] =	sst s1  }
0xa: {  	[smem:$0x3FAD] =	sst s2  }
0xb: {  	[smem:$0x3FAE] =	sst s3  }
0xc: {  	[smem:$0x3FAF] =	sst s4  }
0xd: {  	[smem:$0x3FB0] =	sst s5  }
0xe: {  	[smem:$0x3FB1] =	sst s6  }
0xf: {  	[smem:$0x3FB2] =	sst s7  }
0x10: {  	[smem:$0x3FB3] =	sst s8  }
0x11: {  	[smem:$0x3FB4] =	sst s9;
	s0 =	simm.s32 @!p0 $0x0  }
0x12: {  	s1 =	sld [smem:$0x3F9A];
	s0 =	simm.s32 @p0 $0x1  }
0x13: {  	[smem:$0x3FB5] =	sst s0;
	s0 =	simm.s32 @!p1 $0x0  }
0x14: {  	s2 =	sld [smem:$0x3F99];
	s0 =	simm.s32 @p1 $0x1  }
0x15: {  	[smem:$0x3FB6] =	sst s0;
	s0 =	simm.s32 @!p2 $0x0  }
0x16: {  	s3 =	sld [smem:$0x3FDB];
	s0 =	simm.s32 @p2 $0x1  }
0x17: {  	s4 =	simm.s32 $0x1BF5;
	[smem:$0x3FB8] =	sst s0  }
0x18: {  	s0 =	sld [smem:$0x3F9B];
	_ =	swait.ge [sflag:s4], $0x0  }
0x19: {  	s7 =	sld [smem:$0x3F9C]  }
0x1a: {  	s8 =	sadd.s32 $0xFFFFE003, lr  }
0x1b: {  	s9 =	sadd.s32 $0xFFFFFEF7, lr;
	s5 =	simm.s32 $0xFFFFFFFF;
	p2 =	slt.u32 s8, $0xFFFFF086  }
0x1c: {  	p1 =	slt.u32 s9, $0xF7A;
	s5 =	simm.s32 @!p2 $0x0  }
0x1d: {  	s5 =	simm.s32 @p1 $0x1;
	p0 =	seq.s32 s7, s2  }
0x1e: {  	s7 =	smul.u32 @!p0 $0xF7A, s2;
	p2 =	seq.s32 @!p0 s5, $0x0  }
0x1f: {  	s9 =	smul.u32 $0xF7A, s1;
	s8 =	simm.s32 @!p0 $0x1BF5;
	p2 =	por !p2, p0  }
0x20: {  	[sflag:s8] =	ssyncset.s32 @!p0 $0xFFFFF086;
	s6 =	sadd.s32 @!p0 s3, s7;
	s7 =	simm.s32 @!p0 $0x108  }
0x21: {  	s3 =	sadd.s32 s3, s9;
	s6 =	sadd.s32 @!p0 $0x88, s6;
	s7 =	simm.s32 @p2 $0x1082  }
0x22: {  	[simem:s7], [sflag:s8] =	dma.local @!p0 [hbm:s6], $0xF7A  }
0x23: {  	s9 =	sor.u32 $0xD0000000, s2;
	s6 =	simm.s32 $0x108;
	_ =	swait.ge @!p0 [sflag:s8], $0x0  }
0x24: {  	s3 =	sadd.s32 $0x88, s3;
	s6 =	simm.s32 @!p1 $0x1082;
	[sflag:s4] =	ssyncset.s32 $0xFFFFF086  }
0x25: {  	[simem:s6], [sflag:s4] =	dma.local [hbm:s3], $0xF7A  }
0x26: {  	[smem:$0x3F9C] =	sst s1;
	(tag) =	ssettag s2;
	_ =	strace s9  }
0x27: {  	s1 =	sld [smem:$0x3FAC]  }
0x28: {  	s2 =	sld [smem:$0x3FAD]  }
0x29: {  	s4 =	sld [smem:$0x3FAF]  }
0x2a: {  	p0 =	seq.s32 s5, $0x0;
	s5 =	sld [smem:$0x3FB0]  }
0x2b: {  	s6 =	sld [smem:$0x3FB1]  }
0x2c: {  	s7 =	sld [smem:$0x3FB2]  }
0x2d: {  	s3 =	simm.s32 $0x108;
	s8 =	sld [smem:$0x3FB3]  }
0x2e: {  	s3 =	simm.s32 @!p0 $0x1082;
	s9 =	sld [smem:$0x3FB4]  }
0x2f: {  	lr =	sadd.s32 s0, s3;
	s0 =	sld [smem:$0x3FAB]  }
0x30: {  	s3 =	sld [smem:$0x3FAE]  }
0x31: {  	[smem:$0x3FB7] =	sst s10  }
0x32: {  	s10 =	sld [smem:$0x3FB5];
	_ =	sdelay $0x3  }
0x33: {  	p0 =	seq.s32 s10, $0x1;
	s10 =	sld [smem:$0x3FB7];
	_ =	sdelay $0x3  }
0x34: {  	[smem:$0x3FB7] =	sst s10  }
0x35: {  	s10 =	sld [smem:$0x3FB6];
	_ =	sdelay $0x3  }
0x36: {  	p1 =	seq.s32 s10, $0x1;
	s10 =	sld [smem:$0x3FB7];
	_ =	sdelay $0x3  }
0x37: {  	[smem:$0x3FB7] =	sst s10  }
0x38: {  	s10 =	sld [smem:$0x3FB8]  }
0x39: {  	_ = 	snop;
	(pc) =	sbr.ind lr, $3  }
0x3a: {  	_ = 	snop  }
0x3b: {  	_ = 	snop  }
0x3c: {  	p2 =	seq.s32 s10, $0x1;
	s10 =	sld [smem:$0x3FB7]  }
0x3d: {  	_ =	shalt  }
0x3e: {  	_ =	shalt  }
0x3f: {  	_ =	shalt  }
0x40: {  	_ =	shalt  }
0x41: {  	_ =	shalt  }
0x42: {  	_ =	shalt  }
0x43: {  	_ =	shalt  }
0x44: {  	_ =	shalt  }
0x45: {  	_ =	shalt  }
0x46: {  	_ =	shalt  }
0x47: {  	_ =	shalt  }
0x48: {  	_ =	shalt  }
0x49: {  	_ =	shalt  }
0x4a: {  	_ =	shalt  }
0x4b: {  	_ =	shalt  }
0x4c: {  	_ =	shalt  }
0x4d: {  	_ =	shalt  }
0x4e: {  	_ =	shalt  }
0x4f: {  	_ =	shalt  }
0x50: {  	_ =	shalt  }
0x51: {  	_ =	shalt  }
0x52: {  	_ =	shalt  }
0x53: {  	_ =	shalt  }
0x54: {  	_ =	shalt  }
0x55: {  	_ =	shalt  }
0x56: {  	_ =	shalt  }
0x57: {  	_ =	shalt  }
0x58: {  	_ =	shalt  }
0x59: {  	_ =	shalt  }
0x5a: {  	_ =	shalt  }
0x5b: {  	_ =	shalt  }
0x5c: {  	_ =	shalt  }
0x5d: {  	_ =	shalt  }
0x5e: {  	_ =	shalt  }
0x5f: {  	_ =	shalt  }
0x60: {  	_ =	shalt  }
0x61: {  	_ =	shalt  }
0x62: {  	_ =	shalt  }
0x63: {  	_ =	shalt  }
0x64: {  	_ =	shalt  }
0x65: {  	_ =	shalt  }
0x66: {  	_ =	shalt  }
0x67: {  	_ =	shalt  }
0x68: {  	_ =	shalt  }
0x69: {  	_ =	shalt  }
0x6a: {  	_ =	shalt  }
0x6b: {  	_ =	shalt  }
0x6c: {  	_ =	shalt  }
0x6d: {  	_ =	shalt  }
0x6e: {  	_ =	shalt  }
0x6f: {  	_ =	shalt  }
0x70: {  	_ =	shalt  }
0x71: {  	_ =	shalt  }
0x72: {  	_ =	shalt  }
0x73: {  	_ =	shalt  }
0x74: {  	_ =	shalt  }
0x75: {  	_ =	shalt  }
0x76: {  	_ =	shalt  }
0x77: {  	_ =	shalt  }
0x78: {  	_ =	shalt  }
0x79: {  	_ =	shalt  }
0x7a: {  	_ =	shalt  }
0x7b: {  	_ =	shalt  }
0x7c: {  	_ =	shalt  }
0x7d: {  	_ =	shalt  }
0x7e: {  	_ =	shalt  }
0x7f: {  	_ =	shalt  }
0x80: {  	_ =	shalt  }
0x81: {  	_ =	shalt  }
0x82: {  	_ =	shalt  }
0x83: {  	_ =	shalt  }
0x84: {  	_ =	shalt  }
0x85: {  	_ =	shalt  }
0x86: {  	_ =	shalt  }
0x87: {  	_ =	shalt  }
.Lfunc_end0:
.L_simem_size_0:
called_computation_lowered:
.L_overlay_start_0:
0x88: {  	s2 =	sld [smem:$0x3FD9]  }
0x89: {  	s3 =	sld [smem:$0x3FFE];
	_ =	sdelay $0x1  }
0x8a: {  	s1 =	srdreg.scid  }
0x8b: {  	s0 =	sand.u32 $0x1, s1  }
0x8c: {  	s17 =	sshll.u32 s0, $0xA;
	s2 =	sadd.s32 s3, s2  }
0x8d: {  	s2 =	sadd.s32 s2, s17  }
0x8e: {  	[smem:$0x3FC3] =	sst s2  }
0x8f: {  	_ = 	snop  }
0x90: {  	s2 =	sld [smem:$0x3FD0];
	(tm) =	ssettm $0x1  }
0x91: {  	s18 =	sld [smem:$0x3FFB];
	_ =	sdelay $0x3  }
0x92: {  	_ =	strace s18  }
0x93: {  	s3 =	sld [smem:$0x3FFC];
	_ =	sdelay $0x3  }
0x94: {  	_ =	strace s3  }
0x95: {  	s3 =	sld [smem:$0x3FFD];
	_ =	sdelay $0x3  }
0x96: {  	_ =	strace s3  }
0x97: {  	_ =	strace $0x8FFFFFFF  }
0x98: {  	s19 =	sld [smem:$0x3FDB];
	_ =	sdelay $0x1  }
0x99: {  	s4 =	simm.s32 $_scs_section_size  }
0x9a: {  	s5 =	simm.s32 $_size__tile_overlayer_lowered;
	s6 =	simm.s32 $_tile_overlayer_lowered  }
0x9b: {  	s22 =	simm.s32 $0x1BFF;
	s21 =	sshll.u32 s6, $0x1;
	s3 =	sadd.s32 s4, s19  }
0x9c: {  	s7 =	simm.s32 $0x0;
	s20 =	sshll.u32 s5, $0x1;
	s5 =	sadd.s32 s21, s3  }
0x9d: {  	[timem:s7], [sflag:s22] =	dma.local [hbm:s5], s20  }
0x9e: {  	_ =	swait.ge [sflag:s22], s20  }
0x9f: {  	s4 =	ssub.s32 $0x0, s20;
	[sflag:s22] =	ssyncset.done $0x0  }
0xa0: {  	[sflag:s22] =	ssyncadd.s32 s4;
	_ =	sdelay $0x1  }
0xa1: {  	s23 =	simm.s32 $0x1B8B  }
0xa2: {  	_ =	swait.ge [sflag:s23], $0x1  }
0xa3: {  	[sflag:s23] =	ssyncset.done $0x0  }
0xa4: {  	s25 =	simm.s32 $0x1B8E;
	s24 =	sld [smem:$0x3FFE];
	[sflag:s23] =	ssyncadd.s32 $0xFFFFFFFF  }
0xa5: {  	s26 =	simm.s32 $execute0_lowered;
	[smem:$0x3FD2] =	sst s25  }
0xa6: {  	s5 =	sshll.u32 s26, $0x1;
	_ =	strace $0x80000046;
	[dreg:$0x1] =	wrdreg $0xFFFFFFFF  }
0xa7: {  	s28 =	simm.s32 $_size_execute0_lowered;
	s3 =	sadd.s32 s3, s5;
	[dreg:$0x0] =	wrdreg $0x0  }
0xa8: {  	s5 =	sshll.u32 s28, $0x1;
	[dreg:$0x2] =	wrdreg s3  }
0xa9: {  	[dreg:$0x3] =	wrdreg s5  }
0xaa: {  	[dreg:$0x4] =	wrdreg $0xC0  }
0xab: {  	_ =	task [dreg:s7], $0x5FFFF  }
0xac: {  	[dreg:$0x1] =	wrdreg $0xFFFFFFFF  }
0xad: {  	[dreg:$0x0] =	wrdreg $0x60  }
0xae: {  	[dreg:$0x2] =	wrdreg s24  }
0xaf: {  	[dreg:$0x3] =	wrdreg s2  }
0xb0: {  	[dreg:$0x4] =	wrdreg $0x9  }
0xb1: {  	_ =	task.clear_ibuf [dreg:s7], $0x5FFFF;
	_ =	strace $0x90000046  }
0xb2: {  	s29 =	simm.s32 $0x9;
	_ =	strace $0x80000048  }
0xb3: {  	_ =	swait.ge [sflag:s29], $0x1  }
0xb4: {  	[sflag:s29] =	ssyncadd.s32 $0xFFFFFFFF  }
0xb5: {  	_ =	strace $0x90000048  }
0xb6: {  	_ =	sfence  }
0xb7: {  	s30 =	sld [smem:$0x0];
	_ =	sdelay $0x2  }
0xb8: {  	s31 =	sshll.u32 s1, $0xD;
	s1 =	sshrl.u32 s1, $0x2  }
0xb9: {  	s3 =	sand.u32 $0x4000, s31;
	s1 =	sadd.s32 s1, s30  }
0xba: {  	s0 =	sor.u32 s3, s0;
	s1 =	sshll.u32 s1, $0x11  }
0xbb: {  	s0 =	sor.u32 s1, s0  }
0xbc: {  	s0 =	sadd.s32 $0x8F2B, s0  }
0xbd: {  	[sflag:s0] =	ssyncadd.remote.s32 $0x1  }
0xbe: {  	_ =	sfence.sel $0xFFFF  }
0xbf: {  	[dreg:$0x0] =	wrdreg $0xFFFFFFFF;
	(pc) =	sbr.abs _section_cstart, $3  }
0xc0: {  	[dreg:$0x1] =	wrdreg $0xFFFFFFFF  }
0xc1: {  	_ =	task.clear_ibuf [dreg:s7], $0x2FFFF;
	_ =	strace $0x9FFFFFFF  }
0xc2: {  	(tm) =	ssettm $0x7FFFFFFF  }
0xc3: {  	_ =	shalt  }
tec
execute0_lowered:
.L_overlay_start_1:
0x0: {  	(tag) =	ssettag $0x1  }
0x1: {  	s1 =	srdreg.scid;
	s4 =	rddreg [dreg:$0x0]  }
0x2: {  	s0 =	stileid.u32;
	s5 =	rddreg [dreg:$0x1]  }
0x3: {  	s2 =	simm.s32 $0x0;
	s3 =	sand.u32 $0x1, s1;
	s31 =	sshll.u32 s0, $0x1  }
0x4: {  	s10 =	simm.s32 $0x0;
	s1 =	rddreg [dreg:$0x2];
	s6 =	sor.u32 s3, s31  }
0x5: {  	[smem:$0x7FF] =	sst s2;
	s8 =	ssub.s32 $0x2, s3;
	s7 =	smul.u32 $0x2800, s6  }
0x6: {  	_ =	strace $0x80000047;
	s6 =	smul.u32 $0x28, s6;
	s9 =	sshrl.u32 s8, $0x1  }
0x7: {  	v2 =	vlaneseq.u32;
	s3 =	sadd.s32 $0x1400, s4;
	s8 =	ssub.s32 s8, s9;
	s9 =	simm.s32 $0x180  }
0x8: {  	vm0 =	vmmov $0xffff;
	v1 =	vshrl.u32 v2, $0x3;
	s7 =	sadd.s32 s7, s4;
	s4 =	sadd.s32 s5, s6;
	s6 =	smax.u32 s8, $0x1  }
0x9: {  	v0 =	vand.u32 $0x7, v2;
	v2 =	vor.u32 $0x8, v2;
	v1 =	vmul.u32 $0x8, v1;
	s8 =	simm.s32 $0x1;
	s5 =	sadd.s32 $0x5400, s7;
	s7 =	simm.s32 $0x2  }
.LBB2_1:
0xa: {  	[tilespmem:s2], [sflag:$0x2] =	stream.linear.gather [hbm4b:s4+s2], $0x140, $0x38;
	[tilespmem:$0x14180] =	vst v63  }
0xb: {  	_ =	swait.ge [sflag:s7], $0x140  }
0xc: {  	[sflag:s7] =	ssyncset.done $0x0  }
0xd: {  	s11 =	simm.s32 $0x20;
	s12 =	simm.s32 $0x0;
	[sflag:s7] =	ssyncadd.s32 $0xFFFFFEC0  }
.LBB2_2:
0xe: {  	v3 =	vld [tilespmem:s11+$0xFFFFFFE0];
	_ =	sdelay $0x4  }
0xf: {  	v4 =	vshll.u32 v3, $0x1  }
0x10: {  	v3 =	vand.u32 $0x7, v3;
	v4 =	vand.u32 $0xFFFFFFF0, v4  }
0x11: {  	v3 =	vor.u32 v3, v4  }
0x12: {  	v4 =	vperm.xlane v3, v0;
	_ =	sdelay $0x1  }
0x13: {  	v3 =	vperm.xlane v3, v2;
	v4 =	vadd.s32 v1, v4;
	_ =	sdelay $0x1  }
0x14: {  	v3 =	vadd.s32 v1, v3  }
0x15: {  	s13 =	sshra.s32 s12, $0x2  }
0x16: {  	s14 =	sadd.s32 $0x180, s13  }
0x17: {  	[tilespmem:s14], [sflag:$0x1] =	stream.indirect_vreg.gather [hbm4b:s3+s2], $0x80, v4, vm0, $0xb8;
	[tilespmem:$0x14180] =	vst v63  }
0x18: {  	s23 =	sadd.s32 $0x980, s13  }
0x19: {  	[tilespmem:s23], [sflag:$0x1] =	stream.indirect_vreg.gather [hbm4b:s3+s2], $0x80, v3, vm0, $0xb8;
	[tilespmem:$0x14180] =	vst v63  }
0x1a: {  	v3 =	vld [tilespmem:s11+$0xFFFFFFF0];
	_ =	sdelay $0x4  }
0x1b: {  	v60 =	vshll.u32 v3, $0x1  }
0x1c: {  	v3 =	vand.u32 $0x7, v3;
	v4 =	vand.u32 $0xFFFFFFF0, v60  }
0x1d: {  	v3 =	vor.u32 v3, v4  }
0x1e: {  	v4 =	vperm.xlane v3, v0;
	_ =	sdelay $0x1  }
0x1f: {  	v3 =	vperm.xlane v3, v2;
	v4 =	vadd.s32 v1, v4;
	_ =	sdelay $0x1  }
0x20: {  	v3 =	vadd.s32 v1, v3;
	_ =	sdelay $0x1  }
0x21: {  	s24 =	sadd.s32 $0x1180, s13  }
0x22: {  	[tilespmem:s24], [sflag:$0x1] =	stream.indirect_vreg.gather [hbm4b:s3+s2], $0x80, v4, vm0, $0xb8;
	[tilespmem:$0x14180] =	vst v63  }
0x23: {  	s25 =	sadd.s32 $0x1980, s13  }
0x24: {  	[tilespmem:s25], [sflag:$0x1] =	stream.indirect_vreg.gather [hbm4b:s3+s2], $0x80, v3, vm0, $0xb8;
	[tilespmem:$0x14180] =	vst v63  }
0x25: {  	v3 =	vld [tilespmem:s11+$0x0];
	_ =	sdelay $0x4  }
0x26: {  	v61 =	vshll.u32 v3, $0x1  }
0x27: {  	v3 =	vand.u32 $0x7, v3;
	v4 =	vand.u32 $0xFFFFFFF0, v61  }
0x28: {  	v3 =	vor.u32 v3, v4  }
0x29: {  	v4 =	vperm.xlane v3, v0;
	_ =	sdelay $0x1  }
0x2a: {  	v3 =	vperm.xlane v3, v2;
	v4 =	vadd.s32 v1, v4;
	_ =	sdelay $0x1  }
0x2b: {  	v3 =	vadd.s32 v1, v3;
	_ =	sdelay $0x1  }
0x2c: {  	s26 =	sadd.s32 $0x2180, s13  }
0x2d: {  	[tilespmem:s26], [sflag:$0x1] =	stream.indirect_vreg.gather [hbm4b:s3+s2], $0x80, v4, vm0, $0xb8;
	[tilespmem:$0x14180] =	vst v63  }
0x2e: {  	s28 =	sadd.s32 $0x2980, s13  }
0x2f: {  	[tilespmem:s28], [sflag:$0x1] =	stream.indirect_vreg.gather [hbm4b:s3+s2], $0x80, v3, vm0, $0xb8;
	[tilespmem:$0x14180] =	vst v63  }
0x30: {  	v3 =	vld [tilespmem:s11+$0x10];
	_ =	sdelay $0x4  }
0x31: {  	v62 =	vshll.u32 v3, $0x1  }
0x32: {  	v3 =	vand.u32 $0x7, v3;
	v4 =	vand.u32 $0xFFFFFFF0, v62  }
0x33: {  	v3 =	vor.u32 v3, v4  }
0x34: {  	v4 =	vperm.xlane v3, v0;
	_ =	sdelay $0x1  }
0x35: {  	v3 =	vperm.xlane v3, v2;
	v4 =	vadd.s32 v1, v4;
	_ =	sdelay $0x1  }
0x36: {  	v3 =	vadd.s32 v1, v3;
	_ =	sdelay $0x1  }
0x37: {  	s29 =	sadd.s32 $0x3180, s13  }
0x38: {  	[tilespmem:s29], [sflag:$0x1] =	stream.indirect_vreg.gather [hbm4b:s3+s2], $0x80, v4, vm0, $0xb8;
	[tilespmem:$0x14180] =	vst v63  }
0x39: {  	s30 =	sadd.s32 $0x3980, s13  }
0x3a: {  	[tilespmem:s30], [sflag:$0x1] =	stream.indirect_vreg.gather [hbm4b:s3+s2], $0x80, v3, vm0, $0xb8;
	[tilespmem:$0x14180] =	vst v63  }
0x3b: {  	v3 =	vld [tilespmem:s11+$0x20];
	_ =	sdelay $0x4  }
0x3c: {  	v63 =	vshll.u32 v3, $0x1  }
0x3d: {  	v3 =	vand.u32 $0x7, v3;
	v4 =	vand.u32 $0xFFFFFFF0, v63  }
0x3e: {  	v3 =	vor.u32 v3, v4  }
0x3f: {  	v4 =	vperm.xlane v3, v0;
	_ =	sdelay $0x1  }
0x40: {  	v3 =	vperm.xlane v3, v2;
	v4 =	vadd.s32 v1, v4;
	_ =	sdelay $0x1  }
0x41: {  	v3 =	vadd.s32 v1, v3;
	_ =	sdelay $0x1  }
0x42: {  	p0 =	sne.s32 s12, $0x3C000;
	s31 =	sadd.s32 $0x4180, s13  }
0x43: {  	[tilespmem:s31], [sflag:$0x1] =	stream.indirect_vreg.gather [hbm4b:s3+s2], $0x80, v4, vm0, $0xb8;
	[tilespmem:$0x14180] =	vst v63  }
.Ltmp0:
0x44: {  	s13 =	sadd.s32 $0x4980, s13;
	(pc) =	sbr.rel @p0 .LBB2_2-.Ltmp0, $4  }
0x45: {  	[tilespmem:s13], [sflag:$0x1] =	stream.indirect_vreg.gather [hbm4b:s3+s2], $0x80, v3, vm0, $0xb8;
	[tilespmem:$0x14180] =	vst v63  }
0x46: {  	_ =	swait.ge [sflag:s8], $0x5000  }
0x47: {  	[sflag:s8] =	ssyncset.done $0x0  }
0x48: {  	s12 =	sadd.s32 $0x14000, s12;
	s11 =	sadd.s32 $0x50, s11;
	[sflag:s8] =	ssyncadd.s32 $0xFFFFB000  }
0x49: {  	s10 =	sadd.s32 $0x1, s10  }
0x4a: {  	p0 =	sne.s32 s10, s6  }
.Ltmp1:
0x4b: {  	_ = 	snop;
	(pc) =	sbr.rel @p0 .LBB2_1-.Ltmp1, $4  }
0x4c: {  	[hbm4b:s5+s2] =	stream.linear.scatter [tilespmem:s9], [sflag:$0x2], $0x14000, $0x38;
	[tilespmem:$0x14180] =	vst v63  }
0x4d: {  	_ =	swait.ge [sflag:s7], $0x14000  }
0x4e: {  	[sflag:s7] =	ssyncset.done $0x0  }
0x4f: {  	[sflag:s7] =	ssyncadd.s32 $0xFFFEC000  }
0x50: {  	_ =	sfence.sel $0x180000  }
0x51: {  	[bflag:$0x0] =	sbarrier.arrive $0xFFFF  }
0x52: {  	p0 =	sne.s32 s0, $0x0;
	_ =	strace $0x90000047  }
0x53: {  	s0 =	sadd.s32 @!p0 $0x100000, s1;
	[bflag:$0x2] =	sbarrier.arrive $0xFFFF  }
0x54: {  	[sflag:s0] =	ssyncadd.tile.s32 @!p0 $0x1;
	_ =	shalt  }
.Lfunc_end2:
_tile_overlayer_lowered:
.L_overlay_start_2:
0x55: {  	(tag) =	ssettag $0x2  }
0x56: {  	s0 =	rddreg [dreg:$0x0];
	s2 =	stileid.u32  }
0x57: {  	s1 =	rddreg [dreg:$0x1];
	p0 =	sne.s32 s2, $0x0  }
0x58: {  	s3 =	rddreg [dreg:$0x2];
	[bflag:$0x3] =	sbarrier.arrive $0xFFFF;
	s2 =	simm.s32 @!p0 $0x1C02  }
0x59: {  	[timem:s3], [sflag:s2] =	dma.local @!p0 [hbm:s0], s1  }
0x5a: {  	s0 =	simm.s32 @!p0 $0x2  }
0x5b: {  	_ =	swait.ge @!p0 [sflag:s0], s1  }
0x5c: {  	s1 =	ssub.s32 @!p0 $0x0, s1;
	[sflag:s0] =	ssyncset.done @!p0 $0x0  }
0x5d: {  	[sflag:s0] =	ssyncadd.s32 @!p0 s1  }
0x5e: {  	[bflag:$0x3] =	sbarrier.arrive $0xFFFF  }
0x5f: {  	_ =	shalt  }

// kernel: kernel.9.cloned.1.call-start
scs
__scs_entry_jumppad:
0x0: {  	(pc) =	sbr.rel $0x88, $3  }
0x1: {  	(tag) =	ssettag $0x0;
	lr =	simm.s32 $0x1  }
0x2: {  	[smem:$0x3F9C] =	sst lr;
	_ =	strace $0xD0000000  }
0x3: {  	_ = 	snop  }
0x4: {  	_ = 	snop  }
0x5: {  	_ = 	snop  }
0x6: {  	_ = 	snop  }
0x7: {  	_ = 	snop  }
__scs_overlays_trampoline_lowered:
0x8: {  	[smem:$0x3FAB] =	sst s0  }
0x9: {  	[smem:$0x3FAC] =	sst s1  }
0xa: {  	[smem:$0x3FAD] =	sst s2  }
0xb: {  	[smem:$0x3FAE] =	sst s3  }
0xc: {  	[smem:$0x3FAF] =	sst s4  }
0xd: {  	[smem:$0x3FB0] =	sst s5  }
0xe: {  	[smem:$0x3FB1] =	sst s6  }
0xf: {  	[smem:$0x3FB2] =	sst s7  }
0x10: {  	[smem:$0x3FB3] =	sst s8  }
0x11: {  	[smem:$0x3FB4] =	sst s9;
	s0 =	simm.s32 @!p0 $0x0  }
0x12: {  	s1 =	sld [smem:$0x3F9A];
	s0 =	simm.s32 @p0 $0x1  }
0x13: {  	[smem:$0x3FB5] =	sst s0;
	s0 =	simm.s32 @!p1 $0x0  }
0x14: {  	s2 =	sld [smem:$0x3F99];
	s0 =	simm.s32 @p1 $0x1  }
0x15: {  	[smem:$0x3FB6] =	sst s0;
	s0 =	simm.s32 @!p2 $0x0  }
0x16: {  	s3 =	sld [smem:$0x3FDB];
	s0 =	simm.s32 @p2 $0x1  }
0x17: {  	s4 =	simm.s32 $0x1BF5;
	[smem:$0x3FB8] =	sst s0  }
0x18: {  	s0 =	sld [smem:$0x3F9B];
	_ =	swait.ge [sflag:s4], $0x0  }
0x19: {  	s7 =	sld [smem:$0x3F9C]  }
0x1a: {  	s8 =	sadd.s32 $0xFFFFE003, lr  }
0x1b: {  	s9 =	sadd.s32 $0xFFFFFEF7, lr;
	s5 =	simm.s32 $0xFFFFFFFF;
	p2 =	slt.u32 s8, $0xFFFFF086  }
0x1c: {  	p1 =	slt.u32 s9, $0xF7A;
	s5 =	simm.s32 @!p2 $0x0  }
0x1d: {  	s5 =	simm.s32 @p1 $0x1;
	p0 =	seq.s32 s7, s2  }
0x1e: {  	s7 =	smul.u32 @!p0 $0xF7A, s2;
	p2 =	seq.s32 @!p0 s5, $0x0  }
0x1f: {  	s9 =	smul.u32 $0xF7A, s1;
	s8 =	simm.s32 @!p0 $0x1BF5;
	p2 =	por !p2, p0  }
0x20: {  	[sflag:s8] =	ssyncset.s32 @!p0 $0xFFFFF086;
	s6 =	sadd.s32 @!p0 s3, s7;
	s7 =	simm.s32 @!p0 $0x108  }
0x21: {  	s3 =	sadd.s32 s3, s9;
	s6 =	sadd.s32 @!p0 $0x88, s6;
	s7 =	simm.s32 @p2 $0x1082  }
0x22: {  	[simem:s7], [sflag:s8] =	dma.local @!p0 [hbm:s6], $0xF7A  }
0x23: {  	s9 =	sor.u32 $0xD0000000, s2;
	s6 =	simm.s32 $0x108;
	_ =	swait.ge @!p0 [sflag:s8], $0x0  }
0x24: {  	s3 =	sadd.s32 $0x88, s3;
	s6 =	simm.s32 @!p1 $0x1082;
	[sflag:s4] =	ssyncset.s32 $0xFFFFF086  }
0x25: {  	[simem:s6], [sflag:s4] =	dma.local [hbm:s3], $0xF7A  }
0x26: {  	[smem:$0x3F9C] =	sst s1;
	(tag) =	ssettag s2;
	_ =	strace s9  }
0x27: {  	s1 =	sld [smem:$0x3FAC]  }
0x28: {  	s2 =	sld [smem:$0x3FAD]  }
0x29: {  	s4 =	sld [smem:$0x3FAF]  }
0x2a: {  	p0 =	seq.s32 s5, $0x0;
	s5 =	sld [smem:$0x3FB0]  }
0x2b: {  	s6 =	sld [smem:$0x3FB1]  }
0x2c: {  	s7 =	sld [smem:$0x3FB2]  }
0x2d: {  	s3 =	simm.s32 $0x108;
	s8 =	sld [smem:$0x3FB3]  }
0x2e: {  	s3 =	simm.s32 @!p0 $0x1082;
	s9 =	sld [smem:$0x3FB4]  }
0x2f: {  	lr =	sadd.s32 s0, s3;
	s0 =	sld [smem:$0x3FAB]  }
0x30: {  	s3 =	sld [smem:$0x3FAE]  }
0x31: {  	[smem:$0x3FB7] =	sst s10  }
0x32: {  	s10 =	sld [smem:$0x3FB5];
	_ =	sdelay $0x3  }
0x33: {  	p0 =	seq.s32 s10, $0x1;
	s10 =	sld [smem:$0x3FB7];
	_ =	sdelay $0x3  }
0x34: {  	[smem:$0x3FB7] =	sst s10  }
0x35: {  	s10 =	sld [smem:$0x3FB6];
	_ =	sdelay $0x3  }
0x36: {  	p1 =	seq.s32 s10, $0x1;
	s10 =	sld [smem:$0x3FB7];
	_ =	sdelay $0x3  }
0x37: {  	[smem:$0x3FB7] =	sst s10  }
0x38: {  	s10 =	sld [smem:$0x3FB8]  }
0x39: {  	_ = 	snop;
	(pc) =	sbr.ind lr, $3  }
0x3a: {  	_ = 	snop  }
0x3b: {  	_ = 	snop  }
0x3c: {  	p2 =	seq.s32 s10, $0x1;
	s10 =	sld [smem:$0x3FB7]  }
0x3d: {  	_ =	shalt  }
0x3e: {  	_ =	shalt  }
0x3f: {  	_ =	shalt  }
0x40: {  	_ =	shalt  }
0x41: {  	_ =	shalt  }
0x42: {  	_ =	shalt  }
0x43: {  	_ =	shalt  }
0x44: {  	_ =	shalt  }
0x45: {  	_ =	shalt  }
0x46: {  	_ =	shalt  }
0x47: {  	_ =	shalt  }
0x48: {  	_ =	shalt  }
0x49: {  	_ =	shalt  }
0x4a: {  	_ =	shalt  }
0x4b: {  	_ =	shalt  }
0x4c: {  	_ =	shalt  }
0x4d: {  	_ =	shalt  }
0x4e: {  	_ =	shalt  }
0x4f: {  	_ =	shalt  }
0x50: {  	_ =	shalt  }
0x51: {  	_ =	shalt  }
0x52: {  	_ =	shalt  }
0x53: {  	_ =	shalt  }
0x54: {  	_ =	shalt  }
0x55: {  	_ =	shalt  }
0x56: {  	_ =	shalt  }
0x57: {  	_ =	shalt  }
0x58: {  	_ =	shalt  }
0x59: {  	_ =	shalt  }
0x5a: {  	_ =	shalt  }
0x5b: {  	_ =	shalt  }
0x5c: {  	_ =	shalt  }
0x5d: {  	_ =	shalt  }
0x5e: {  	_ =	shalt  }
0x5f: {  	_ =	shalt  }
0x60: {  	_ =	shalt  }
0x61: {  	_ =	shalt  }
0x62: {  	_ =	shalt  }
0x63: {  	_ =	shalt  }
0x64: {  	_ =	shalt  }
0x65: {  	_ =	shalt  }
0x66: {  	_ =	shalt  }
0x67: {  	_ =	shalt  }
0x68: {  	_ =	shalt  }
0x69: {  	_ =	shalt  }
0x6a: {  	_ =	shalt  }
0x6b: {  	_ =	shalt  }
0x6c: {  	_ =	shalt  }
0x6d: {  	_ =	shalt  }
0x6e: {  	_ =	shalt  }
0x6f: {  	_ =	shalt  }
0x70: {  	_ =	shalt  }
0x71: {  	_ =	shalt  }
0x72: {  	_ =	shalt  }
0x73: {  	_ =	shalt  }
0x74: {  	_ =	shalt  }
0x75: {  	_ =	shalt  }
0x76: {  	_ =	shalt  }
0x77: {  	_ =	shalt  }
0x78: {  	_ =	shalt  }
0x79: {  	_ =	shalt  }
0x7a: {  	_ =	shalt  }
0x7b: {  	_ =	shalt  }
0x7c: {  	_ =	shalt  }
0x7d: {  	_ =	shalt  }
0x7e: {  	_ =	shalt  }
0x7f: {  	_ =	shalt  }
0x80: {  	_ =	shalt  }
0x81: {  	_ =	shalt  }
0x82: {  	_ =	shalt  }
0x83: {  	_ =	shalt  }
0x84: {  	_ =	shalt  }
0x85: {  	_ =	shalt  }
0x86: {  	_ =	shalt  }
0x87: {  	_ =	shalt  }
.Lfunc_end0:
.L_simem_size_0:
called_computation.1_lowered:
.L_overlay_start_0:
0x88: {  	s2 =	sld [smem:$0x3FD9]  }
0x89: {  	s3 =	sld [smem:$0x3FFE];
	_ =	sdelay $0x1  }
0x8a: {  	s1 =	srdreg.scid  }
0x8b: {  	s0 =	sand.u32 $0x1, s1  }
0x8c: {  	s17 =	sshll.u32 s0, $0xA;
	s2 =	sadd.s32 s3, s2  }
0x8d: {  	s2 =	sadd.s32 s2, s17  }
0x8e: {  	[smem:$0x3FC3] =	sst s2  }
0x8f: {  	_ = 	snop  }
0x90: {  	s2 =	sld [smem:$0x3FD0];
	(tm) =	ssettm $0x1  }
0x91: {  	s18 =	sld [smem:$0x3FFB];
	_ =	sdelay $0x3  }
0x92: {  	_ =	strace s18  }
0x93: {  	s3 =	sld [smem:$0x3FFC];
	_ =	sdelay $0x3  }
0x94: {  	_ =	strace s3  }
0x95: {  	s3 =	sld [smem:$0x3FFD];
	_ =	sdelay $0x3  }
0x96: {  	_ =	strace s3  }
0x97: {  	_ =	strace $0x8FFFFFFF  }
0x98: {  	s19 =	sld [smem:$0x3FDB];
	_ =	sdelay $0x1  }
0x99: {  	s4 =	simm.s32 $_scs_section_size  }
0x9a: {  	s5 =	simm.s32 $_size__tile_overlayer_lowered;
	s6 =	simm.s32 $_tile_overlayer_lowered  }
0x9b: {  	s22 =	simm.s32 $0x1BFF;
	s21 =	sshll.u32 s6, $0x1;
	s3 =	sadd.s32 s4, s19  }
0x9c: {  	s7 =	simm.s32 $0x0;
	s20 =	sshll.u32 s5, $0x1;
	s5 =	sadd.s32 s21, s3  }
0x9d: {  	[timem:s7], [sflag:s22] =	dma.local [hbm:s5], s20  }
0x9e: {  	_ =	swait.ge [sflag:s22], s20  }
0x9f: {  	s4 =	ssub.s32 $0x0, s20;
	[sflag:s22] =	ssyncset.done $0x0  }
0xa0: {  	[sflag:s22] =	ssyncadd.s32 s4;
	_ =	sdelay $0x1  }
0xa1: {  	s23 =	simm.s32 $0x1B8B  }
0xa2: {  	_ =	swait.ge [sflag:s23], $0x1  }
0xa3: {  	[sflag:s23] =	ssyncset.done $0x0  }
0xa4: {  	s25 =	simm.s32 $0x1B8E;
	s24 =	sld [smem:$0x3FFE];
	[sflag:s23] =	ssyncadd.s32 $0xFFFFFFFF  }
0xa5: {  	s26 =	simm.s32 $execute0_lowered;
	[smem:$0x3FD2] =	sst s25  }
0xa6: {  	s5 =	sshll.u32 s26, $0x1;
	_ =	strace $0x80000049;
	[dreg:$0x1] =	wrdreg $0xFFFFFFFF  }
0xa7: {  	s28 =	simm.s32 $_size_execute0_lowered;
	s3 =	sadd.s32 s3, s5;
	[dreg:$0x0] =	wrdreg $0x0  }
0xa8: {  	s5 =	sshll.u32 s28, $0x1;
	[dreg:$0x2] =	wrdreg s3  }
0xa9: {  	[dreg:$0x3] =	wrdreg s5  }
0xaa: {  	[dreg:$0x4] =	wrdreg $0xC0  }
0xab: {  	_ =	task [dreg:s7], $0x5FFFF  }
0xac: {  	[dreg:$0x1] =	wrdreg $0xFFFFFFFF  }
0xad: {  	[dreg:$0x0] =	wrdreg $0x60  }
0xae: {  	[dreg:$0x2] =	wrdreg s24  }
0xaf: {  	[dreg:$0x3] =	wrdreg s2  }
0xb0: {  	[dreg:$0x4] =	wrdreg $0x9  }
0xb1: {  	_ =	task.clear_ibuf [dreg:s7], $0x5FFFF;
	_ =	strace $0x90000049  }
0xb2: {  	s29 =	simm.s32 $0x9;
	_ =	strace $0x8000004B  }
0xb3: {  	_ =	swait.ge [sflag:s29], $0x1  }
0xb4: {  	[sflag:s29] =	ssyncadd.s32 $0xFFFFFFFF  }
0xb5: {  	_ =	strace $0x9000004B  }
0xb6: {  	_ =	sfence  }
0xb7: {  	s30 =	sld [smem:$0x0];
	_ =	sdelay $0x2  }
0xb8: {  	s31 =	sshll.u32 s1, $0xD;
	s1 =	sshrl.u32 s1, $0x2  }
0xb9: {  	s3 =	sand.u32 $0x4000, s31;
	s1 =	sadd.s32 s1, s30  }
0xba: {  	s0 =	sor.u32 s3, s0;
	s1 =	sshll.u32 s1, $0x11  }
0xbb: {  	s0 =	sor.u32 s1, s0  }
0xbc: {  	s0 =	sadd.s32 $0x8F2B, s0  }
0xbd: {  	[sflag:s0] =	ssyncadd.remote.s32 $0x1  }
0xbe: {  	_ =	sfence.sel $0xFFFF  }
0xbf: {  	[dreg:$0x0] =	wrdreg $0xFFFFFFFF;
	(pc) =	sbr.abs _section_cstart, $3  }
0xc0: {  	[dreg:$0x1] =	wrdreg $0xFFFFFFFF  }
0xc1: {  	_ =	task.clear_ibuf [dreg:s7], $0x2FFFF;
	_ =	strace $0x9FFFFFFF  }
0xc2: {  	(tm) =	ssettm $0x7FFFFFFF  }
0xc3: {  	_ =	shalt  }
tec
execute0_lowered:
.L_overlay_start_1:
0x0: {  	(tag) =	ssettag $0x1  }
0x1: {  	s6 =	rddreg [dreg:$0x0]  }
0x2: {  	s7 =	rddreg [dreg:$0x1]  }
0x3: {  	s0 =	rddreg [dreg:$0x2];
	s2 =	simm.s32 $0x0;
	s4 =	srdreg.scid  }
0x4: {  	s1 =	stileid.u32;
	s12 =	simm.s32 $0x80;
	s13 =	simm.s32 $0x100  }
0x5: {  	s14 =	simm.s32 $0x1;
	s15 =	simm.s32 $0x4100;
	s16 =	simm.s32 $0x8580  }
0x6: {  	s17 =	simm.s32 $0x0;
	[smem:$0x7FF] =	sst s2;
	s3 =	sadd.s32 $0x155600, s6  }
0x7: {  	s5 =	sand.u32 $0x1, s4;
	s8 =	sshll.u32 s1, $0x1;
	s4 =	sadd.s32 $0x1400, s6  }
0x8: {  	_ =	strace $0x8000004A;
	s8 =	sor.u32 s5, s8;
	s9 =	ssub.s32 $0x2, s5  }
0x9: {  	s5 =	sadd.s32 $0x1600, s6;
	s10 =	sshll.u32 s8, $0x9;
	s11 =	sshrl.u32 s9, $0x1  }
0xa: {  	s31 =	sshll.u32 s8, $0x5;
	s10 =	sadd.s32 s10, s6;
	s9 =	ssub.s32 s9, s11  }
0xb: {  	s6 =	sadd.s32 s7, s31;
	s11 =	simm.s32 $0x8500;
	s7 =	sadd.s32 $0x1800, s10  }
0xc: {  	s8 =	smax.u32 s9, $0x1;
	s9 =	simm.s32 $0x2;
	s10 =	simm.s32 $0x8100  }
.LBB2_1:
0xd: {  	[tilespmem:s2], [sflag:$0x2] =	stream.linear.gather [hbm4b:s6+s2], $0x100, $0x38;
	[tilespmem:$0x9580] =	vst v63  }
0xe: {  	_ =	swait.ge [sflag:s9], $0x100  }
0xf: {  	[sflag:s9] =	ssyncset.done $0x0  }
0x10: {  	[sflag:s9] =	ssyncadd.s32 $0xFFFFFF00  }
0x11: {  	[tilespmem:s10], [sflag:$0x2] =	stream.linear.gather [hbm4b:s4+s2], $0x400, $0x38;
	[tilespmem:$0x9580] =	vst v63  }
0x12: {  	_ =	swait.ge [sflag:s9], $0x400  }
0x13: {  	[sflag:s9] =	ssyncset.done $0x0  }
0x14: {  	[sflag:s9] =	ssyncadd.s32 $0xFFFFFC00  }
0x15: {  	[tilespmem:s11], [sflag:$0x2] =	stream.linear.gather [hbm4b:s5+s2], $0x80, $0x38;
	[tilespmem:$0x9580] =	vst v63  }
0x16: {  	_ =	swait.ge [sflag:s9], $0x80  }
0x17: {  	[sflag:s9] =	ssyncset.done $0x0  }
0x18: {  	[sflag:s9] =	ssyncadd.s32 $0xFFFFFF80  }
0x19: {  	[tilespmem:s13], [sflag:$0x1] =	stream.indirect.gather [hbm4b:s3+s12], $0x80, s2, s12, $0xb8;
	[tilespmem:$0x9580] =	vst v63  }
0x1a: {  	_ =	swait.ge [sflag:s14], $0x4000  }
0x1b: {  	[sflag:s14] =	ssyncset.done $0x0  }
0x1c: {  	[sflag:s14] =	ssyncadd.s32 $0xFFFFC000  }
0x1d: {  	[tilespmem:s15], [sflag:$0x1] =	stream.indirect.gather [hbm4b:s3+s12], $0x80, s12, s12, $0xb8;
	[tilespmem:$0x9580] =	vst v63  }
0x1e: {  	_ =	swait.ge [sflag:s14], $0x4000  }
0x1f: {  	[sflag:s14] =	ssyncset.done $0x0  }
0x20: {  	s18 =	simm.s32 $0x300;
	[sflag:s14] =	ssyncadd.s32 $0xFFFFC000  }
0x21: {  	v0 =	vld [tilespmem:s18+$0xFFFFFE80]  }
0x22: {  	v1 =	vld [tilespmem:s18+$0xFFFFFE00]  }
0x23: {  	v2 =	vld [tilespmem:$0x8100]  }
0x24: {  	v3 =	vld [tilespmem:$0x8180]  }
0x25: {  	v4 =	vld [tilespmem:$0x8500]  }
0x26: {  	v5 =	vld [tilespmem:s18+$0xFFFFFF00]  }
0x27: {  	v6 =	vld [tilespmem:$0x8200]  }
0x28: {  	v7 =	vld [tilespmem:s18+$0xFFFFFF80];
	v1 =	vmul.f32 v2, v1  }
0x29: {  	v2 =	vld [tilespmem:$0x8280]  }
0x2a: {  	v41 =	vld [tilespmem:s18+$0x0];
	v0 =	vmul.f32 v3, v0;
	v1 =	vadd.f32 v1, v4  }
0x2b: {  	v3 =	vld [tilespmem:$0x8300]  }
0x2c: {  	v42 =	vld [tilespmem:$0x8380];
	v0 =	vadd.f32 v0, v1;
	v1 =	vmul.f32 v6, v5  }
0x2d: {  	v43 =	vld [tilespmem:s18+$0x80]  }
0x2e: {  	v44 =	vld [tilespmem:s18+$0x100];
	v0 =	vadd.f32 v1, v0;
	v1 =	vmul.f32 v2, v7  }
0x2f: {  	v2 =	vld [tilespmem:$0x8400]  }
0x30: {  	v45 =	vld [tilespmem:s18+$0x180];
	v0 =	vadd.f32 v1, v0;
	v1 =	vmul.f32 v3, v41  }
0x31: {  	v3 =	vld [tilespmem:$0x8480]  }
0x32: {  	v0 =	vadd.f32 v1, v0;
	v1 =	vmul.f32 v42, v43;
	_ =	sdelay $0x1  }
0x33: {  	v0 =	vadd.f32 v1, v0;
	v1 =	vmul.f32 v2, v44;
	_ =	sdelay $0x1  }
0x34: {  	v0 =	vadd.f32 v1, v0;
	v1 =	vmul.f32 v3, v45;
	_ =	sdelay $0x1  }
0x35: {  	v0 =	vadd.f32 v1, v0  }
0x36: {  	s19 =	simm.s32 $0x0  }
0x37: {  	[tilespmem:s19+$0x8580] =	vst v0  }
0x38: {  	v0 =	vld [tilespmem:s18+$0xFFFFFE10]  }
0x39: {  	v1 =	vld [tilespmem:$0x8100]  }
0x3a: {  	v2 =	vld [tilespmem:s18+$0xFFFFFE90]  }
0x3b: {  	v3 =	vld [tilespmem:$0x8500]  }
0x3c: {  	v46 =	vld [tilespmem:$0x8180]  }
0x3d: {  	v47 =	vld [tilespmem:$0x8200]  }
0x3e: {  	v48 =	vld [tilespmem:s18+$0xFFFFFF10]  }
0x3f: {  	v49 =	vld [tilespmem:s18+$0xFFFFFF90];
	v0 =	vmul.f32 v1, v0  }
0x40: {  	v1 =	vld [tilespmem:$0x8280]  }
0x41: {  	v50 =	vld [tilespmem:s18+$0x10];
	v2 =	vmul.f32 v46, v2;
	v0 =	vadd.f32 v0, v3  }
0x42: {  	v3 =	vld [tilespmem:$0x8300]  }
0x43: {  	v51 =	vld [tilespmem:$0x8380];
	v0 =	vadd.f32 v2, v0;
	v2 =	vmul.f32 v47, v48  }
0x44: {  	v52 =	vld [tilespmem:s18+$0x90]  }
0x45: {  	v53 =	vld [tilespmem:s18+$0x110];
	v1 =	vmul.f32 v1, v49;
	v0 =	vadd.f32 v2, v0  }
0x46: {  	v2 =	vld [tilespmem:$0x8400]  }
0x47: {  	v54 =	vld [tilespmem:s18+$0x190];
	v0 =	vadd.f32 v1, v0;
	v1 =	vmul.f32 v3, v50  }
0x48: {  	v3 =	vld [tilespmem:$0x8480]  }
0x49: {  	v0 =	vadd.f32 v1, v0;
	v1 =	vmul.f32 v51, v52;
	_ =	sdelay $0x1  }
0x4a: {  	v0 =	vadd.f32 v1, v0;
	v1 =	vmul.f32 v2, v53;
	_ =	sdelay $0x1  }
0x4b: {  	v0 =	vadd.f32 v1, v0;
	v1 =	vmul.f32 v3, v54;
	_ =	sdelay $0x1  }
0x4c: {  	v0 =	vadd.f32 v1, v0;
	_ =	sdelay $0x1  }
0x4d: {  	[tilespmem:s19+$0x8590] =	vst v0  }
0x4e: {  	v0 =	vld [tilespmem:s18+$0xFFFFFE20]  }
0x4f: {  	v1 =	vld [tilespmem:$0x8100]  }
0x50: {  	v2 =	vld [tilespmem:s18+$0xFFFFFEA0]  }
0x51: {  	v3 =	vld [tilespmem:$0x8500]  }
0x52: {  	v55 =	vld [tilespmem:$0x8180]  }
0x53: {  	v56 =	vld [tilespmem:$0x8200]  }
0x54: {  	v57 =	vld [tilespmem:s18+$0xFFFFFF20]  }
0x55: {  	v58 =	vld [tilespmem:s18+$0xFFFFFFA0];
	v0 =	vmul.f32 v1, v0  }
0x56: {  	v1 =	vld [tilespmem:$0x8280]  }
0x57: {  	v59 =	vld [tilespmem:s18+$0x20];
	v2 =	vmul.f32 v55, v2;
	v0 =	vadd.f32 v0, v3  }
0x58: {  	v3 =	vld [tilespmem:$0x8300]  }
0x59: {  	v60 =	vld [tilespmem:$0x8380];
	v0 =	vadd.f32 v2, v0;
	v2 =	vmul.f32 v56, v57  }
0x5a: {  	v61 =	vld [tilespmem:s18+$0xA0]  }
0x5b: {  	v62 =	vld [tilespmem:s18+$0x120];
	v1 =	vmul.f32 v1, v58;
	v0 =	vadd.f32 v2, v0  }
0x5c: {  	v2 =	vld [tilespmem:$0x8400]  }
0x5d: {  	v63 =	vld [tilespmem:s18+$0x1A0];
	v0 =	vadd.f32 v1, v0;
	v1 =	vmul.f32 v3, v59  }
0x5e: {  	v3 =	vld [tilespmem:$0x8480]  }
0x5f: {  	v0 =	vadd.f32 v1, v0;
	v1 =	vmul.f32 v60, v61;
	_ =	sdelay $0x1  }
0x60: {  	v0 =	vadd.f32 v1, v0;
	v1 =	vmul.f32 v2, v62;
	_ =	sdelay $0x1  }
0x61: {  	v0 =	vadd.f32 v1, v0;
	v1 =	vmul.f32 v3, v63;
	_ =	sdelay $0x1  }
0x62: {  	v0 =	vadd.f32 v1, v0;
	_ =	sdelay $0x1  }
0x63: {  	[tilespmem:s19+$0x85A0] =	vst v0  }
0x64: {  	v0 =	vld [tilespmem:$0x8180]  }
0x65: {  	s20 =	simm.s32 $0x200;
	s21 =	simm.s32 $0x300;
	v1 =	vld [tilespmem:$0x8100]  }
.LBB2_2:
0x66: {  	p0 =	sne.s32 s20, $0x3E00  }
0x67: {  	v2 =	vld [tilespmem:s18+$0xFFFFFE30];
	s21 =	sadd.s32 $0x400, s21;
	s22 =	smov.u32 s20;
	s20 =	sadd.s32 $0x200, s20  }
0x68: {  	v3 =	vld [tilespmem:s18+$0xFFFFFEB0]  }
0x69: {  	v4 =	vld [tilespmem:$0x8500]  }
0x6a: {  	v5 =	vld [tilespmem:s18+$0xFFFFFF30]  }
0x6b: {  	v6 =	vld [tilespmem:$0x8200]  }
0x6c: {  	v1 =	vmul.f32 v1, v2;
	v2 =	vld [tilespmem:s18+$0xFFFFFFB0]  }
0x6d: {  	v0 =	vmul.f32 v0, v3;
	v3 =	vld [tilespmem:$0x8280]  }
0x6e: {  	v1 =	vadd.f32 v1, v4;
	v4 =	vld [tilespmem:s18+$0x30]  }
0x6f: {  	v7 =	vld [tilespmem:$0x8300]  }
0x70: {  	v0 =	vadd.f32 v0, v1;
	v1 =	vmul.f32 v6, v5;
	v5 =	vld [tilespmem:s18+$0xB0]  }
0x71: {  	v6 =	vld [tilespmem:$0x8380]  }
0x72: {  	v0 =	vadd.f32 v1, v0;
	v1 =	vmul.f32 v3, v2;
	v2 =	vld [tilespmem:s18+$0x130]  }
0x73: {  	v3 =	vld [tilespmem:$0x8400]  }
0x74: {  	v0 =	vadd.f32 v1, v0;
	v1 =	vmul.f32 v7, v4;
	v4 =	vld [tilespmem:s18+$0x1B0];
	s18 =	smov.u32 s21  }
0x75: {  	v7 =	vld [tilespmem:$0x8480]  }
0x76: {  	v0 =	vadd.f32 v1, v0;
	v1 =	vmul.f32 v6, v5;
	_ =	sdelay $0x1  }
0x77: {  	v0 =	vadd.f32 v1, v0;
	v1 =	vmul.f32 v3, v2;
	_ =	sdelay $0x1  }
0x78: {  	v0 =	vadd.f32 v1, v0;
	v1 =	vmul.f32 v7, v4;
	_ =	sdelay $0x1  }
0x79: {  	v0 =	vadd.f32 v1, v0;
	_ =	sdelay $0x1  }
0x7a: {  	[tilespmem:s19+$0x85B0] =	vst v0  }
0x7b: {  	v0 =	vld [tilespmem:s21+$0xFFFFFE80]  }
0x7c: {  	v1 =	vld [tilespmem:s21+$0xFFFFFE00]  }
0x7d: {  	v2 =	vld [tilespmem:$0x8100]  }
0x7e: {  	v3 =	vld [tilespmem:s21+$0xFFFFFF00]  }
0x7f: {  	v4 =	vld [tilespmem:$0x8180]  }
0x80: {  	v5 =	vld [tilespmem:$0x8500];
	_ =	sdelay $0x1  }
0x81: {  	v6 =	vld [tilespmem:$0x8200]  }
0x82: {  	v1 =	vmul.f32 v2, v1;
	v2 =	vld [tilespmem:$0x8280]  }
0x83: {  	v0 =	vmul.f32 v4, v0;
	v4 =	vld [tilespmem:s21+$0xFFFFFF80]  }
0x84: {  	v1 =	vadd.f32 v1, v5;
	v5 =	vld [tilespmem:$0x8300]  }
0x85: {  	v7 =	vld [tilespmem:s21+$0x0]  }
0x86: {  	v0 =	vadd.f32 v0, v1;
	v1 =	vmul.f32 v6, v3;
	v3 =	vld [tilespmem:$0x8380]  }
0x87: {  	v6 =	vld [tilespmem:s21+$0x80]  }
0x88: {  	v0 =	vadd.f32 v1, v0;
	v1 =	vmul.f32 v2, v4;
	v2 =	vld [tilespmem:$0x8400]  }
0x89: {  	v4 =	vld [tilespmem:s21+$0x100]  }
0x8a: {  	v0 =	vadd.f32 v1, v0;
	v1 =	vmul.f32 v5, v7;
	v5 =	vld [tilespmem:$0x8480]  }
0x8b: {  	v7 =	vld [tilespmem:s21+$0x180]  }
0x8c: {  	v0 =	vadd.f32 v1, v0;
	v1 =	vmul.f32 v3, v6;
	_ =	sdelay $0x1  }
0x8d: {  	v0 =	vadd.f32 v1, v0;
	v1 =	vmul.f32 v2, v4;
	_ =	sdelay $0x1  }
0x8e: {  	v0 =	vadd.f32 v1, v0;
	v1 =	vmul.f32 v5, v7;
	_ =	sdelay $0x1  }
0x8f: {  	v0 =	vadd.f32 v1, v0  }
0x90: {  	s19 =	sshra.s32 s22, $0x2  }
0x91: {  	[tilespmem:s19+$0x8580] =	vst v0  }
0x92: {  	v0 =	vld [tilespmem:s21+$0xFFFFFE10]  }
0x93: {  	v1 =	vld [tilespmem:$0x8100]  }
0x94: {  	v2 =	vld [tilespmem:s21+$0xFFFFFE90]  }
0x95: {  	v3 =	vld [tilespmem:$0x8500]  }
0x96: {  	v4 =	vld [tilespmem:$0x8180]  }
0x97: {  	v5 =	vld [tilespmem:$0x8200]  }
0x98: {  	v0 =	vmul.f32 v1, v0;
	v1 =	vld [tilespmem:s21+$0xFFFFFF10]  }
0x99: {  	v6 =	vld [tilespmem:$0x8280]  }
0x9a: {  	v0 =	vadd.f32 v0, v3;
	v3 =	vld [tilespmem:s21+$0xFFFFFF90]  }
0x9b: {  	v2 =	vmul.f32 v4, v2;
	v4 =	vld [tilespmem:$0x8300]  }
0x9c: {  	v7 =	vld [tilespmem:s21+$0x10]  }
0x9d: {  	v0 =	vadd.f32 v2, v0;
	v1 =	vmul.f32 v5, v1;
	v2 =	vld [tilespmem:$0x8380]  }
0x9e: {  	v5 =	vld [tilespmem:s21+$0x90]  }
0x9f: {  	v0 =	vadd.f32 v1, v0;
	v1 =	vmul.f32 v6, v3;
	v3 =	vld [tilespmem:$0x8400]  }
0xa0: {  	v6 =	vld [tilespmem:s21+$0x110]  }
0xa1: {  	v0 =	vadd.f32 v1, v0;
	v1 =	vmul.f32 v4, v7;
	v4 =	vld [tilespmem:$0x8480]  }
0xa2: {  	v7 =	vld [tilespmem:s21+$0x190]  }
0xa3: {  	v0 =	vadd.f32 v1, v0;
	v1 =	vmul.f32 v2, v5;
	_ =	sdelay $0x1  }
0xa4: {  	v0 =	vadd.f32 v1, v0;
	v1 =	vmul.f32 v3, v6;
	_ =	sdelay $0x1  }
0xa5: {  	v0 =	vadd.f32 v1, v0;
	v1 =	vmul.f32 v4, v7;
	_ =	sdelay $0x1  }
0xa6: {  	v0 =	vadd.f32 v1, v0;
	_ =	sdelay $0x1  }
0xa7: {  	[tilespmem:s19+$0x8590] =	vst v0  }
0xa8: {  	v0 =	vld [tilespmem:s21+$0xFFFFFE20]  }
0xa9: {  	v1 =	vld [tilespmem:$0x8100]  }
0xaa: {  	v2 =	vld [tilespmem:s21+$0xFFFFFEA0]  }
0xab: {  	v3 =	vld [tilespmem:$0x8500]  }
0xac: {  	v4 =	vld [tilespmem:$0x8180]  }
0xad: {  	v5 =	vld [tilespmem:$0x8200]  }
0xae: {  	v0 =	vmul.f32 v1, v0;
	v1 =	vld [tilespmem:s21+$0xFFFFFF20]  }
0xaf: {  	v6 =	vld [tilespmem:$0x8280]  }
0xb0: {  	v0 =	vadd.f32 v0, v3;
	v3 =	vld [tilespmem:s21+$0xFFFFFFA0]  }
0xb1: {  	v2 =	vmul.f32 v4, v2;
	v4 =	vld [tilespmem:$0x8300]  }
0xb2: {  	v7 =	vld [tilespmem:s21+$0x20]  }
0xb3: {  	v0 =	vadd.f32 v2, v0;
	v1 =	vmul.f32 v5, v1;
	v2 =	vld [tilespmem:$0x8380]  }
0xb4: {  	v5 =	vld [tilespmem:s21+$0xA0]  }
0xb5: {  	v0 =	vadd.f32 v1, v0;
	v1 =	vmul.f32 v6, v3;
	v3 =	vld [tilespmem:$0x8400]  }
0xb6: {  	v6 =	vld [tilespmem:s21+$0x120]  }
0xb7: {  	v0 =	vadd.f32 v1, v0;
	v1 =	vmul.f32 v4, v7;
	v4 =	vld [tilespmem:$0x8480]  }
0xb8: {  	v7 =	vld [tilespmem:s21+$0x1A0]  }
0xb9: {  	v0 =	vadd.f32 v1, v0;
	v1 =	vmul.f32 v2, v5;
	_ =	sdelay $0x1  }
0xba: {  	v0 =	vadd.f32 v1, v0;
	v1 =	vmul.f32 v3, v6;
	_ =	sdelay $0x1  }
0xbb: {  	v0 =	vadd.f32 v1, v0;
	v1 =	vmul.f32 v4, v7;
	_ =	sdelay $0x1  }
.Ltmp0:
0xbc: {  	v0 =	vadd.f32 v1, v0;
	(pc) =	sbr.rel @p0 .LBB2_2-.Ltmp0, $4  }
0xbd: {  	_ = 	snop  }
0xbe: {  	[tilespmem:s19+$0x85A0] =	vst v0  }
0xbf: {  	v0 =	vld [tilespmem:$0x8180]  }
0xc0: {  	v1 =	vld [tilespmem:$0x8100]  }
0xc1: {  	v2 =	vld [tilespmem:s18+$0xFFFFFE30]  }
0xc2: {  	v3 =	vld [tilespmem:s18+$0xFFFFFEB0]  }
0xc3: {  	v4 =	vld [tilespmem:$0x8500]  }
0xc4: {  	v5 =	vld [tilespmem:s18+$0xFFFFFF30]  }
0xc5: {  	v6 =	vld [tilespmem:$0x8200]  }
0xc6: {  	v49 =	vld [tilespmem:s18+$0xFFFFFFB0];
	v1 =	vmul.f32 v1, v2  }
0xc7: {  	v7 =	vld [tilespmem:$0x8280]  }
0xc8: {  	v50 =	vld [tilespmem:s18+$0x30];
	v0 =	vmul.f32 v0, v3;
	v1 =	vadd.f32 v1, v4  }
0xc9: {  	v51 =	vld [tilespmem:$0x8300]  }
0xca: {  	v53 =	vld [tilespmem:s18+$0xB0];
	v52 =	vmul.f32 v6, v5;
	v0 =	vadd.f32 v0, v1  }
0xcb: {  	v54 =	vld [tilespmem:$0x8380]  }
0xcc: {  	v56 =	vld [tilespmem:s18+$0x130];
	v55 =	vmul.f32 v7, v49;
	v0 =	vadd.f32 v52, v0  }
0xcd: {  	v57 =	vld [tilespmem:$0x8400]  }
0xce: {  	v59 =	vld [tilespmem:s18+$0x1B0];
	v58 =	vmul.f32 v51, v50;
	v0 =	vadd.f32 v55, v0  }
0xcf: {  	v60 =	vld [tilespmem:$0x8480]  }
0xd0: {  	v61 =	vmul.f32 v54, v53;
	v0 =	vadd.f32 v58, v0;
	_ =	sdelay $0x1  }
0xd1: {  	v62 =	vmul.f32 v57, v56;
	v0 =	vadd.f32 v61, v0;
	_ =	sdelay $0x1  }
0xd2: {  	v63 =	vmul.f32 v60, v59;
	v0 =	vadd.f32 v62, v0;
	_ =	sdelay $0x1  }
0xd3: {  	s17 =	sadd.s32 $0x1, s17;
	v0 =	vadd.f32 v63, v0  }
0xd4: {  	p0 =	sne.s32 s17, s8  }
.Ltmp1:
0xd5: {  	[tilespmem:s19+$0x85B0] =	vst v0;
	(pc) =	sbr.rel @p0 .LBB2_1-.Ltmp1, $4  }
0xd6: {  	[hbm4b:s7+s2] =	stream.linear.scatter [tilespmem:s16], [sflag:$0x2], $0x1000, $0x38;
	[tilespmem:$0x9580] =	vst v63  }
0xd7: {  	_ =	swait.ge [sflag:s9], $0x1000  }
0xd8: {  	[sflag:s9] =	ssyncset.done $0x0  }
0xd9: {  	[sflag:s9] =	ssyncadd.s32 $0xFFFFF000  }
0xda: {  	_ =	sfence.sel $0x180000  }
0xdb: {  	[bflag:$0x0] =	sbarrier.arrive $0xFFFF  }
0xdc: {  	p0 =	sne.s32 s1, $0x0;
	_ =	strace $0x9000004A  }
0xdd: {  	s0 =	sadd.s32 @!p0 $0x100000, s0;
	[bflag:$0x2] =	sbarrier.arrive $0xFFFF  }
0xde: {  	[sflag:s0] =	ssyncadd.tile.s32 @!p0 $0x1;
	_ =	shalt  }
.Lfunc_end2:
_tile_overlayer_lowered:
.L_overlay_start_2:
0xdf: {  	(tag) =	ssettag $0x2  }
0xe0: {  	s0 =	rddreg [dreg:$0x0];
	s2 =	stileid.u32  }
0xe1: {  	s1 =	rddreg [dreg:$0x1];
	p0 =	sne.s32 s2, $0x0  }
0xe2: {  	s3 =	rddreg [dreg:$0x2];
	[bflag:$0x3] =	sbarrier.arrive $0xFFFF;
	s2 =	simm.s32 @!p0 $0x1C02  }
0xe3: {  	[timem:s3], [sflag:s2] =	dma.local @!p0 [hbm:s0], s1  }
0xe4: {  	s0 =	simm.s32 @!p0 $0x2  }
0xe5: {  	_ =	swait.ge @!p0 [sflag:s0], s1  }
0xe6: {  	s1 =	ssub.s32 @!p0 $0x0, s1;
	[sflag:s0] =	ssyncset.done @!p0 $0x0  }
0xe7: {  	[sflag:s0] =	ssyncadd.s32 @!p0 s1  }
0xe8: {  	[bflag:$0x3] =	sbarrier.arrive $0xFFFF  }
0xe9: {  	_ =	shalt  }

</sc_bundles>
